<compile_context>
chip_gen: v7x
topology: tpu7x:2x2x1
jax: 0.10.2.dev20260603
libtpu: 0.0.44.dev20260713+nightly
codegen_flags: <defaults>
</compile_context>

<pallas_src>
import functools

import jax
import jax.numpy as jnp
from jax import lax
from jax.experimental import pallas as pl
from jax.experimental.pallas import tpu as pltpu
from jax.experimental.pallas import tpu_sc as plsc

NC = 2
NS = 16
NW = NC * NS

C = 80
FA = 80


def _sc_gather_sum(nfeat2d, dst2d, src2d, zA, NP):
    N, F = nfeat2d.shape
    CPW = dst2d.shape[0] // NW
    RPT = NP // NS
    RCH = RPT // C

    mesh = plsc.VectorSubcoreMesh(core_axis_name="c", subcore_axis_name="s")

    @functools.partial(
        pl.kernel,
        out_type=jax.ShapeDtypeStruct((NC, NP, F), jnp.float32),
        mesh=mesh,
        scratch_types=[
            pltpu.VMEM((C,), jnp.int32),
            pltpu.VMEM((C,), jnp.int32),
            pltpu.VMEM((C, F), jnp.float32),
            pltpu.VMEM_SHARED((NP, F), jnp.float32),
        ],
    )
    def k1(nfeat_hbm, dst_hbm, src_hbm, zA_hbm, a_out, dstbuf, srcbuf, gbuf, accA):
        cid = lax.axis_index("c")
        sid = lax.axis_index("s")
        wid = sid * NC + cid
        r0 = sid * RPT

        pltpu.sync_copy(zA_hbm, gbuf)
        for k in range(RCH):
            pltpu.sync_copy(gbuf, accA.at[pl.ds(r0 + k * C, C)])
        plsc.subcore_barrier()

        def chunk_body(ch, carry):
            row = wid * CPW + ch
            pltpu.sync_copy(dst_hbm.at[row], dstbuf)
            pltpu.sync_copy(src_hbm.at[row], srcbuf)
            pltpu.sync_copy(nfeat_hbm.at[srcbuf], gbuf)
            pltpu.sync_copy(gbuf, accA.at[dstbuf], add=True)
            return carry

        lax.fori_loop(0, CPW, chunk_body, 0)

        plsc.subcore_barrier()
        for k in range(RCH):
            rs = r0 + k * C
            pltpu.sync_copy(accA.at[pl.ds(rs, C)], gbuf)
            pltpu.sync_copy(gbuf, a_out.at[cid, pl.ds(rs, C)])

    return k1(nfeat2d, dst2d, src2d, zA)


def _sc_efeat_deg_sum(efeat_aug, dst2d, zE, NP):
    E = efeat_aug.shape[0]
    EPW = E // NW
    CPW = EPW // C
    RPT = NP // NS
    RCH = RPT // C

    mesh = plsc.VectorSubcoreMesh(core_axis_name="c", subcore_axis_name="s")

    @functools.partial(
        pl.kernel,
        out_type=jax.ShapeDtypeStruct((NC, NP, FA), jnp.float32),
        mesh=mesh,
        scratch_types=[
            pltpu.VMEM((C,), jnp.int32),
            pltpu.VMEM((C, FA), jnp.float32),
            pltpu.VMEM_SHARED((NP, FA), jnp.float32),
        ],
    )
    def k2(efeat_hbm, dst_hbm, zE_hbm, e_out, idxbuf, ebuf, accE):
        cid = lax.axis_index("c")
        sid = lax.axis_index("s")
        wid = sid * NC + cid
        r0 = sid * RPT

        pltpu.sync_copy(zE_hbm, ebuf)
        for k in range(RCH):
            pltpu.sync_copy(ebuf, accE.at[pl.ds(r0 + k * C, C)])
        plsc.subcore_barrier()

        def chunk_body(ch, carry):
            ebase = wid * EPW + ch * C
            pltpu.sync_copy(dst_hbm.at[wid * CPW + ch], idxbuf)
            pltpu.sync_copy(efeat_hbm.at[pl.ds(ebase, C)], ebuf)
            pltpu.sync_copy(ebuf, accE.at[idxbuf], add=True)
            return carry

        lax.fori_loop(0, CPW, chunk_body, 0)

        plsc.subcore_barrier()
        for k in range(RCH):
            rs = r0 + k * C
            pltpu.sync_copy(accE.at[pl.ds(rs, C)], ebuf)
            pltpu.sync_copy(ebuf, e_out.at[cid, pl.ds(rs, C)])

    return k2(efeat_aug, dst2d, zE)


def _tc_combine(a_part, aug_part, nfeat2d, wq_bd, wk_bd, w_tile, b_tile):
    N, F = nfeat2d.shape
    F2 = w_tile.shape[0]
    BLK = 1000
    grid = (N // BLK,)

    def tc_body(aref, eref, xref, wqref, wkref, wtref, btref, oref):
        a = aref[0] + aref[1]
        aug = eref[0] + eref[1]
        es = aug[:, :F2]
        deg = aug[:, F2:F2 + 1]
        y = jnp.dot(a, wkref[...], preferred_element_type=jnp.float32)
        y = y + jnp.dot(es, wtref[...], preferred_element_type=jnp.float32)
        y = y + deg * (jnp.dot(xref[...], wqref[...],
                               preferred_element_type=jnp.float32) + btref[...])
        oref[...] = y

    return pl.pallas_call(
        tc_body,
        grid=grid,
        in_specs=[
            pl.BlockSpec((NC, BLK, F), lambda i: (0, i, 0)),
            pl.BlockSpec((NC, BLK, FA), lambda i: (0, i, 0)),
            pl.BlockSpec((BLK, F), lambda i: (i, 0)),
            pl.BlockSpec((F, F), lambda i: (0, 0)),
            pl.BlockSpec((F, F), lambda i: (0, 0)),
            pl.BlockSpec((F2, F), lambda i: (0, 0)),
            pl.BlockSpec((1, F), lambda i: (0, 0)),
        ],
        out_specs=pl.BlockSpec((BLK, F), lambda i: (i, 0)),
        out_shape=jax.ShapeDtypeStruct((N, F), jnp.float32),
    )(a_part, aug_part, nfeat2d, wq_bd, wk_bd, w_tile, b_tile)


def kernel(nfeat, edge_index, efeat, W, b):
    N, H, D = nfeat.shape
    E = edge_index.shape[1]
    F = H * D
    F2 = 2 * D
    NP = -(-N // (NS * C)) * (NS * C)

    nfeat2d = nfeat.reshape(N, F)
    src = edge_index[0]
    dst = edge_index[1]
    EPW = E // NW
    dst2d = dst.reshape(NW * (EPW // C), C).astype(jnp.int32)
    src2d = src.reshape(NW * (EPW // C), C).astype(jnp.int32)
    efeat_aug = jnp.concatenate(
        [efeat, jnp.ones((E, 1), jnp.float32),
         jnp.zeros((E, FA - F2 - 1), jnp.float32)], axis=1)
    zA = jnp.zeros((C, F), jnp.float32)
    zE = jnp.zeros((C, FA), jnp.float32)

    a_part = _sc_gather_sum(nfeat2d, dst2d, src2d, zA, NP)
    aug_part = _sc_efeat_deg_sum(efeat_aug, dst2d, zE, NP)

    Wq = W[:D]
    Wk = W[D:]
    wq_bd = jax.scipy.linalg.block_diag(*([Wq] * H))
    wk_bd = jax.scipy.linalg.block_diag(*([Wk] * H))
    w_tile = jnp.tile(W, (1, H))
    b_tile = jnp.tile(b, H)[None, :]

    out2d = _tc_combine(a_part, aug_part, nfeat2d, wq_bd, wk_bd, w_tile, b_tile)
    return out2d.reshape(N, H, D)

# --- scband reference (transcript-rebuilt; emitter-appended) ---
"""Pipeline reference for scband-sireconv-base-56118042689984 (READ-ONLY COPY).

The authoritative reference and input builder live on the scoring server;
editing this copy changes nothing except your own understanding.
"""

import jax, jax.numpy as jnp
import numpy as np

N = 10000
E = 320000
H = 4
D = 32


def setup_inputs(seed: int = 0) -> dict:
    key = jax.random.key(seed)
    k1, k2, k3, k4 = jax.random.split(key, 4)
    nfeat = jax.random.normal(k1, (N, H, D), dtype=jnp.float32)
    edge_index = jax.random.randint(k2, (2, E), 0, N)
    efeat = jax.random.normal(k3, (E, 2 * D), dtype=jnp.float32)
    W = jax.random.normal(k4, (2 * D, D), dtype=jnp.float32) * (1.0 / np.sqrt(2 * D))
    b = jnp.zeros((D,), dtype=jnp.float32)
    return {"nfeat": nfeat, "edge_index": edge_index, "efeat": efeat, "W": W, "b": b}


def reference(nfeat, edge_index, efeat, W, b):
    # SIREConvBase.forward with agg_type='sum':
    #   norm = ones(N,1,1) (sym norm only used when agg_type=='sym')
    #   message = cat([dst_feat, src_feat], -1) + efeat.unsqueeze(-2)
    #   message = Linear(message)  (the user-provided message_func)
    #   m = norm[src] * norm[dst] * message
    #   out[dst] += m  (fn.sum aggregation at destination nodes)
    src = edge_index[0]
    dst = edge_index[1]
    n = nfeat.shape[0]
    norm = jnp.ones((n, 1, 1), dtype=nfeat.dtype)
    eq = jnp.take(nfeat, dst, axis=0)  # dst['eq'] gather [E,H,D]
    ek = jnp.take(nfeat, src, axis=0)  # src['ek'] gather [E,H,D]
    message = jnp.concatenate([eq, ek], axis=-1)  # [E,H,2D]
    message = message + efeat[:, None, :]  # edata['e'].unsqueeze(-2) broadcast over heads
    message = jnp.dot(message, W) + b  # message_func: Linear(2D -> D)
    m = jnp.take(norm, src, axis=0) * jnp.take(norm, dst, axis=0) * message
    out = jax.ops.segment_sum(m, dst, num_segments=n)  # scatter-add by dst
    return out

if __name__ == "__main__":
    import jax
    _d = setup_inputs()
    print(jax.jit(kernel)(*tuple(_d.values())))

</pallas_src>

<mosaic_0001>
#map = affine_map<(d0, d1) -> (0, 0)>
#map1 = affine_map<(d0, d1) -> (0, 0, 0)>
module attributes {stable_mosaic.version = 14 : i64} {
  func.func @k1(%arg0: i32, %arg1: i32, %arg2: memref<10000x128xf32, #tpu.memory_space<hbm>>, %arg3: memref<4000x80xi32, #tpu.memory_space<hbm>>, %arg4: memref<4000x80xi32, #tpu.memory_space<hbm>>, %arg5: memref<80x128xf32, #tpu.memory_space<hbm>>, %arg6: memref<2x10240x128xf32, #tpu.memory_space<hbm>>, %arg7: memref<80xi32, #tpu.memory_space<vmem>>, %arg8: memref<80xi32, #tpu.memory_space<vmem>>, %arg9: memref<80x128xf32, #tpu.memory_space<vmem>>, %arg10: memref<10240x128xf32, #tpu.memory_space<vmem_shared>>) attributes {dimension_semantics = [#tpu.dimension_semantics<core_parallel>, #tpu.dimension_semantics<subcore_parallel>], iteration_bounds = array<i64: 2, 16>, scalar_prefetch = 0 : i64, scratch_operands = 4 : i64, tpu.core_type = #tpu.core_type<sc_vector_subcore>, window_params = [{transform_indices = #map}, {transform_indices = #map}, {transform_indices = #map}, {transform_indices = #map}, {transform_indices = #map1}]} {
    %mul3A = arith.constant 2 : i32
    %mul3A_0 = arith.muli %arg1, %mul3A : i32
    %add3A = arith.addi %mul3A_0, %arg0 : i32
    %mul3A_1 = arith.constant 640 : i32
    %mul3A_2 = arith.muli %arg1, %mul3A_1 : i32
    "tpu.region"() ({
      %run_scoped3A = tpu.sem_alloc : memref<!tpu.dma_semaphore, #tpu.memory_space<semaphore_mem>>
      tpu.enqueue_dma source(%arg5 : memref<80x128xf32, #tpu.memory_space<hbm>>) target(%arg9 : memref<80x128xf32, #tpu.memory_space<vmem>>) target_semaphore(%run_scoped3A : memref<!tpu.dma_semaphore, #tpu.memory_space<semaphore_mem>>)
      tpu.wait_dma2 semaphore(%run_scoped3A : memref<!tpu.dma_semaphore, #tpu.memory_space<semaphore_mem>>) src(%arg5 : memref<80x128xf32, #tpu.memory_space<hbm>>) dst(%arg9 : memref<80x128xf32, #tpu.memory_space<vmem>>)
      tpu.yield
    }) : () -> ()
    %add3A_3 = arith.constant 0 : i32
    %add3A_4 = arith.addi %mul3A_2, %add3A_3 : i32
    "tpu.region"() ({
      %run_scoped3A = tpu.sem_alloc : memref<!tpu.dma_semaphore, #tpu.memory_space<semaphore_mem>>
      %dma_start3A = arith.constant 0 : i32
      %dma_start3A_41 = tpu.memref_slice %arg10[%add3A_4, %dma_start3A] : memref<10240x128xf32, #tpu.memory_space<vmem_shared>> -> memref<80x128xf32, #tpu.memory_space<vmem_shared>>
      %dma_start3A_42 = arith.constant 0 : i32
      %dma_start3A_43 = tpu.memref_slice %arg10[%add3A_4, %dma_start3A_42] : memref<10240x128xf32, #tpu.memory_space<vmem_shared>> -> memref<80x128xf32, #tpu.memory_space<vmem_shared>>
      tpu.enqueue_dma source(%arg9 : memref<80x128xf32, #tpu.memory_space<vmem>>) target(%dma_start3A_43 : memref<80x128xf32, #tpu.memory_space<vmem_shared>>) target_semaphore(%run_scoped3A : memref<!tpu.dma_semaphore, #tpu.memory_space<semaphore_mem>>)
      %dma_wait3A = arith.constant 0 : i32
      %dma_wait3A_44 = tpu.memref_slice %arg10[%add3A_4, %dma_wait3A] : memref<10240x128xf32, #tpu.memory_space<vmem_shared>> -> memref<80x128xf32, #tpu.memory_space<vmem_shared>>
      %dma_wait3A_45 = arith.constant 0 : i32
      %dma_wait3A_46 = tpu.memref_slice %arg10[%add3A_4, %dma_wait3A_45] : memref<10240x128xf32, #tpu.memory_space<vmem_shared>> -> memref<80x128xf32, #tpu.memory_space<vmem_shared>>
      tpu.wait_dma2 semaphore(%run_scoped3A : memref<!tpu.dma_semaphore, #tpu.memory_space<semaphore_mem>>) src(%arg9 : memref<80x128xf32, #tpu.memory_space<vmem>>) dst(%dma_wait3A_46 : memref<80x128xf32, #tpu.memory_space<vmem_shared>>)
      tpu.yield
    }) : () -> ()
    %add3A_5 = arith.constant 80 : i32
    %add3A_6 = arith.addi %mul3A_2, %add3A_5 : i32
    "tpu.region"() ({
      %run_scoped3A = tpu.sem_alloc : memref<!tpu.dma_semaphore, #tpu.memory_space<semaphore_mem>>
      %dma_start3A = arith.constant 0 : i32
      %dma_start3A_41 = tpu.memref_slice %arg10[%add3A_6, %dma_start3A] : memref<10240x128xf32, #tpu.memory_space<vmem_shared>> -> memref<80x128xf32, #tpu.memory_space<vmem_shared>>
      %dma_start3A_42 = arith.constant 0 : i32
      %dma_start3A_43 = tpu.memref_slice %arg10[%add3A_6, %dma_start3A_42] : memref<10240x128xf32, #tpu.memory_space<vmem_shared>> -> memref<80x128xf32, #tpu.memory_space<vmem_shared>>
      tpu.enqueue_dma source(%arg9 : memref<80x128xf32, #tpu.memory_space<vmem>>) target(%dma_start3A_43 : memref<80x128xf32, #tpu.memory_space<vmem_shared>>) target_semaphore(%run_scoped3A : memref<!tpu.dma_semaphore, #tpu.memory_space<semaphore_mem>>)
      %dma_wait3A = arith.constant 0 : i32
      %dma_wait3A_44 = tpu.memref_slice %arg10[%add3A_6, %dma_wait3A] : memref<10240x128xf32, #tpu.memory_space<vmem_shared>> -> memref<80x128xf32, #tpu.memory_space<vmem_shared>>
      %dma_wait3A_45 = arith.constant 0 : i32
      %dma_wait3A_46 = tpu.memref_slice %arg10[%add3A_6, %dma_wait3A_45] : memref<10240x128xf32, #tpu.memory_space<vmem_shared>> -> memref<80x128xf32, #tpu.memory_space<vmem_shared>>
      tpu.wait_dma2 semaphore(%run_scoped3A : memref<!tpu.dma_semaphore, #tpu.memory_space<semaphore_mem>>) src(%arg9 : memref<80x128xf32, #tpu.memory_space<vmem>>) dst(%dma_wait3A_46 : memref<80x128xf32, #tpu.memory_space<vmem_shared>>)
      tpu.yield
    }) : () -> ()
    %add3A_7 = arith.constant 160 : i32
    %add3A_8 = arith.addi %mul3A_2, %add3A_7 : i32
    "tpu.region"() ({
      %run_scoped3A = tpu.sem_alloc : memref<!tpu.dma_semaphore, #tpu.memory_space<semaphore_mem>>
      %dma_start3A = arith.constant 0 : i32
      %dma_start3A_41 = tpu.memref_slice %arg10[%add3A_8, %dma_start3A] : memref<10240x128xf32, #tpu.memory_space<vmem_shared>> -> memref<80x128xf32, #tpu.memory_space<vmem_shared>>
      %dma_start3A_42 = arith.constant 0 : i32
      %dma_start3A_43 = tpu.memref_slice %arg10[%add3A_8, %dma_start3A_42] : memref<10240x128xf32, #tpu.memory_space<vmem_shared>> -> memref<80x128xf32, #tpu.memory_space<vmem_shared>>
      tpu.enqueue_dma source(%arg9 : memref<80x128xf32, #tpu.memory_space<vmem>>) target(%dma_start3A_43 : memref<80x128xf32, #tpu.memory_space<vmem_shared>>) target_semaphore(%run_scoped3A : memref<!tpu.dma_semaphore, #tpu.memory_space<semaphore_mem>>)
      %dma_wait3A = arith.constant 0 : i32
      %dma_wait3A_44 = tpu.memref_slice %arg10[%add3A_8, %dma_wait3A] : memref<10240x128xf32, #tpu.memory_space<vmem_shared>> -> memref<80x128xf32, #tpu.memory_space<vmem_shared>>
      %dma_wait3A_45 = arith.constant 0 : i32
      %dma_wait3A_46 = tpu.memref_slice %arg10[%add3A_8, %dma_wait3A_45] : memref<10240x128xf32, #tpu.memory_space<vmem_shared>> -> memref<80x128xf32, #tpu.memory_space<vmem_shared>>
      tpu.wait_dma2 semaphore(%run_scoped3A : memref<!tpu.dma_semaphore, #tpu.memory_space<semaphore_mem>>) src(%arg9 : memref<80x128xf32, #tpu.memory_space<vmem>>) dst(%dma_wait3A_46 : memref<80x128xf32, #tpu.memory_space<vmem_shared>>)
      tpu.yield
    }) : () -> ()
    %add3A_9 = arith.constant 240 : i32
    %add3A_10 = arith.addi %mul3A_2, %add3A_9 : i32
    "tpu.region"() ({
      %run_scoped3A = tpu.sem_alloc : memref<!tpu.dma_semaphore, #tpu.memory_space<semaphore_mem>>
      %dma_start3A = arith.constant 0 : i32
      %dma_start3A_41 = tpu.memref_slice %arg10[%add3A_10, %dma_start3A] : memref<10240x128xf32, #tpu.memory_space<vmem_shared>> -> memref<80x128xf32, #tpu.memory_space<vmem_shared>>
      %dma_start3A_42 = arith.constant 0 : i32
      %dma_start3A_43 = tpu.memref_slice %arg10[%add3A_10, %dma_start3A_42] : memref<10240x128xf32, #tpu.memory_space<vmem_shared>> -> memref<80x128xf32, #tpu.memory_space<vmem_shared>>
      tpu.enqueue_dma source(%arg9 : memref<80x128xf32, #tpu.memory_space<vmem>>) target(%dma_start3A_43 : memref<80x128xf32, #tpu.memory_space<vmem_shared>>) target_semaphore(%run_scoped3A : memref<!tpu.dma_semaphore, #tpu.memory_space<semaphore_mem>>)
      %dma_wait3A = arith.constant 0 : i32
      %dma_wait3A_44 = tpu.memref_slice %arg10[%add3A_10, %dma_wait3A] : memref<10240x128xf32, #tpu.memory_space<vmem_shared>> -> memref<80x128xf32, #tpu.memory_space<vmem_shared>>
      %dma_wait3A_45 = arith.constant 0 : i32
      %dma_wait3A_46 = tpu.memref_slice %arg10[%add3A_10, %dma_wait3A_45] : memref<10240x128xf32, #tpu.memory_space<vmem_shared>> -> memref<80x128xf32, #tpu.memory_space<vmem_shared>>
      tpu.wait_dma2 semaphore(%run_scoped3A : memref<!tpu.dma_semaphore, #tpu.memory_space<semaphore_mem>>) src(%arg9 : memref<80x128xf32, #tpu.memory_space<vmem>>) dst(%dma_wait3A_46 : memref<80x128xf32, #tpu.memory_space<vmem_shared>>)
      tpu.yield
    }) : () -> ()
    %add3A_11 = arith.constant 320 : i32
    %add3A_12 = arith.addi %mul3A_2, %add3A_11 : i32
    "tpu.region"() ({
      %run_scoped3A = tpu.sem_alloc : memref<!tpu.dma_semaphore, #tpu.memory_space<semaphore_mem>>
      %dma_start3A = arith.constant 0 : i32
      %dma_start3A_41 = tpu.memref_slice %arg10[%add3A_12, %dma_start3A] : memref<10240x128xf32, #tpu.memory_space<vmem_shared>> -> memref<80x128xf32, #tpu.memory_space<vmem_shared>>
      %dma_start3A_42 = arith.constant 0 : i32
      %dma_start3A_43 = tpu.memref_slice %arg10[%add3A_12, %dma_start3A_42] : memref<10240x128xf32, #tpu.memory_space<vmem_shared>> -> memref<80x128xf32, #tpu.memory_space<vmem_shared>>
      tpu.enqueue_dma source(%arg9 : memref<80x128xf32, #tpu.memory_space<vmem>>) target(%dma_start3A_43 : memref<80x128xf32, #tpu.memory_space<vmem_shared>>) target_semaphore(%run_scoped3A : memref<!tpu.dma_semaphore, #tpu.memory_space<semaphore_mem>>)
      %dma_wait3A = arith.constant 0 : i32
      %dma_wait3A_44 = tpu.memref_slice %arg10[%add3A_12, %dma_wait3A] : memref<10240x128xf32, #tpu.memory_space<vmem_shared>> -> memref<80x128xf32, #tpu.memory_space<vmem_shared>>
      %dma_wait3A_45 = arith.constant 0 : i32
      %dma_wait3A_46 = tpu.memref_slice %arg10[%add3A_12, %dma_wait3A_45] : memref<10240x128xf32, #tpu.memory_space<vmem_shared>> -> memref<80x128xf32, #tpu.memory_space<vmem_shared>>
      tpu.wait_dma2 semaphore(%run_scoped3A : memref<!tpu.dma_semaphore, #tpu.memory_space<semaphore_mem>>) src(%arg9 : memref<80x128xf32, #tpu.memory_space<vmem>>) dst(%dma_wait3A_46 : memref<80x128xf32, #tpu.memory_space<vmem_shared>>)
      tpu.yield
    }) : () -> ()
    %add3A_13 = arith.constant 400 : i32
    %add3A_14 = arith.addi %mul3A_2, %add3A_13 : i32
    "tpu.region"() ({
      %run_scoped3A = tpu.sem_alloc : memref<!tpu.dma_semaphore, #tpu.memory_space<semaphore_mem>>
      %dma_start3A = arith.constant 0 : i32
      %dma_start3A_41 = tpu.memref_slice %arg10[%add3A_14, %dma_start3A] : memref<10240x128xf32, #tpu.memory_space<vmem_shared>> -> memref<80x128xf32, #tpu.memory_space<vmem_shared>>
      %dma_start3A_42 = arith.constant 0 : i32
      %dma_start3A_43 = tpu.memref_slice %arg10[%add3A_14, %dma_start3A_42] : memref<10240x128xf32, #tpu.memory_space<vmem_shared>> -> memref<80x128xf32, #tpu.memory_space<vmem_shared>>
      tpu.enqueue_dma source(%arg9 : memref<80x128xf32, #tpu.memory_space<vmem>>) target(%dma_start3A_43 : memref<80x128xf32, #tpu.memory_space<vmem_shared>>) target_semaphore(%run_scoped3A : memref<!tpu.dma_semaphore, #tpu.memory_space<semaphore_mem>>)
      %dma_wait3A = arith.constant 0 : i32
      %dma_wait3A_44 = tpu.memref_slice %arg10[%add3A_14, %dma_wait3A] : memref<10240x128xf32, #tpu.memory_space<vmem_shared>> -> memref<80x128xf32, #tpu.memory_space<vmem_shared>>
      %dma_wait3A_45 = arith.constant 0 : i32
      %dma_wait3A_46 = tpu.memref_slice %arg10[%add3A_14, %dma_wait3A_45] : memref<10240x128xf32, #tpu.memory_space<vmem_shared>> -> memref<80x128xf32, #tpu.memory_space<vmem_shared>>
      tpu.wait_dma2 semaphore(%run_scoped3A : memref<!tpu.dma_semaphore, #tpu.memory_space<semaphore_mem>>) src(%arg9 : memref<80x128xf32, #tpu.memory_space<vmem>>) dst(%dma_wait3A_46 : memref<80x128xf32, #tpu.memory_space<vmem_shared>>)
      tpu.yield
    }) : () -> ()
    %add3A_15 = arith.constant 480 : i32
    %add3A_16 = arith.addi %mul3A_2, %add3A_15 : i32
    "tpu.region"() ({
      %run_scoped3A = tpu.sem_alloc : memref<!tpu.dma_semaphore, #tpu.memory_space<semaphore_mem>>
      %dma_start3A = arith.constant 0 : i32
      %dma_start3A_41 = tpu.memref_slice %arg10[%add3A_16, %dma_start3A] : memref<10240x128xf32, #tpu.memory_space<vmem_shared>> -> memref<80x128xf32, #tpu.memory_space<vmem_shared>>
      %dma_start3A_42 = arith.constant 0 : i32
      %dma_start3A_43 = tpu.memref_slice %arg10[%add3A_16, %dma_start3A_42] : memref<10240x128xf32, #tpu.memory_space<vmem_shared>> -> memref<80x128xf32, #tpu.memory_space<vmem_shared>>
      tpu.enqueue_dma source(%arg9 : memref<80x128xf32, #tpu.memory_space<vmem>>) target(%dma_start3A_43 : memref<80x128xf32, #tpu.memory_space<vmem_shared>>) target_semaphore(%run_scoped3A : memref<!tpu.dma_semaphore, #tpu.memory_space<semaphore_mem>>)
      %dma_wait3A = arith.constant 0 : i32
      %dma_wait3A_44 = tpu.memref_slice %arg10[%add3A_16, %dma_wait3A] : memref<10240x128xf32, #tpu.memory_space<vmem_shared>> -> memref<80x128xf32, #tpu.memory_space<vmem_shared>>
      %dma_wait3A_45 = arith.constant 0 : i32
      %dma_wait3A_46 = tpu.memref_slice %arg10[%add3A_16, %dma_wait3A_45] : memref<10240x128xf32, #tpu.memory_space<vmem_shared>> -> memref<80x128xf32, #tpu.memory_space<vmem_shared>>
      tpu.wait_dma2 semaphore(%run_scoped3A : memref<!tpu.dma_semaphore, #tpu.memory_space<semaphore_mem>>) src(%arg9 : memref<80x128xf32, #tpu.memory_space<vmem>>) dst(%dma_wait3A_46 : memref<80x128xf32, #tpu.memory_space<vmem_shared>>)
      tpu.yield
    }) : () -> ()
    %add3A_17 = arith.constant 560 : i32
    %add3A_18 = arith.addi %mul3A_2, %add3A_17 : i32
    "tpu.region"() ({
      %run_scoped3A = tpu.sem_alloc : memref<!tpu.dma_semaphore, #tpu.memory_space<semaphore_mem>>
      %dma_start3A = arith.constant 0 : i32
      %dma_start3A_41 = tpu.memref_slice %arg10[%add3A_18, %dma_start3A] : memref<10240x128xf32, #tpu.memory_space<vmem_shared>> -> memref<80x128xf32, #tpu.memory_space<vmem_shared>>
      %dma_start3A_42 = arith.constant 0 : i32
      %dma_start3A_43 = tpu.memref_slice %arg10[%add3A_18, %dma_start3A_42] : memref<10240x128xf32, #tpu.memory_space<vmem_shared>> -> memref<80x128xf32, #tpu.memory_space<vmem_shared>>
      tpu.enqueue_dma source(%arg9 : memref<80x128xf32, #tpu.memory_space<vmem>>) target(%dma_start3A_43 : memref<80x128xf32, #tpu.memory_space<vmem_shared>>) target_semaphore(%run_scoped3A : memref<!tpu.dma_semaphore, #tpu.memory_space<semaphore_mem>>)
      %dma_wait3A = arith.constant 0 : i32
      %dma_wait3A_44 = tpu.memref_slice %arg10[%add3A_18, %dma_wait3A] : memref<10240x128xf32, #tpu.memory_space<vmem_shared>> -> memref<80x128xf32, #tpu.memory_space<vmem_shared>>
      %dma_wait3A_45 = arith.constant 0 : i32
      %dma_wait3A_46 = tpu.memref_slice %arg10[%add3A_18, %dma_wait3A_45] : memref<10240x128xf32, #tpu.memory_space<vmem_shared>> -> memref<80x128xf32, #tpu.memory_space<vmem_shared>>
      tpu.wait_dma2 semaphore(%run_scoped3A : memref<!tpu.dma_semaphore, #tpu.memory_space<semaphore_mem>>) src(%arg9 : memref<80x128xf32, #tpu.memory_space<vmem>>) dst(%dma_wait3A_46 : memref<80x128xf32, #tpu.memory_space<vmem_shared>>)
      tpu.yield
    }) : () -> ()
    %barrier3A = arith.constant 0 : index
    tpu.barrier barrier_id(%barrier3A)
    %scan3A = arith.constant 0 : i32
    %scan3A_19 = arith.constant 0 : i32
    %scan3A_20 = arith.constant 125 : i32
    %scan3A_21 = arith.addi %scan3A_19, %scan3A_20 : i32
    %scan3A_22 = arith.constant 1 : i32
    scf.for %scan3A_41 = %scan3A_19 to %scan3A_21 step %scan3A_22  : i32 {
      %mul3A_42 = arith.constant 125 : i32
      %mul3A_43 = arith.muli %add3A, %mul3A_42 : i32
      %add3A_44 = arith.addi %mul3A_43, %scan3A_41 : i32
      "tpu.region"() ({
        %run_scoped3A = tpu.sem_alloc : memref<!tpu.dma_semaphore, #tpu.memory_space<semaphore_mem>>
        %dma_start3A = arith.constant 0 : i32
        %dma_start3A_45 = tpu.memref_slice %arg3[%add3A_44, %dma_start3A] : memref<4000x80xi32, #tpu.memory_space<hbm>> -> memref<1x80xi32, #tpu.memory_space<hbm>>
        %dma_start3A_46 = tpu.memref_squeeze %dma_start3A_45 : memref<1x80xi32, #tpu.memory_space<hbm>> -> memref<80xi32, #tpu.memory_space<hbm>>
        %dma_start3A_47 = arith.constant 0 : i32
        %dma_start3A_48 = tpu.memref_slice %arg3[%add3A_44, %dma_start3A_47] : memref<4000x80xi32, #tpu.memory_space<hbm>> -> memref<1x80xi32, #tpu.memory_space<hbm>>
        %dma_start3A_49 = tpu.memref_squeeze %dma_start3A_48 : memref<1x80xi32, #tpu.memory_space<hbm>> -> memref<80xi32, #tpu.memory_space<hbm>>
        tpu.enqueue_dma source(%dma_start3A_49 : memref<80xi32, #tpu.memory_space<hbm>>) target(%arg7 : memref<80xi32, #tpu.memory_space<vmem>>) target_semaphore(%run_scoped3A : memref<!tpu.dma_semaphore, #tpu.memory_space<semaphore_mem>>)
        %dma_wait3A = arith.constant 0 : i32
        %dma_wait3A_50 = tpu.memref_slice %arg3[%add3A_44, %dma_wait3A] : memref<4000x80xi32, #tpu.memory_space<hbm>> -> memref<1x80xi32, #tpu.memory_space<hbm>>
        %dma_wait3A_51 = tpu.memref_squeeze %dma_wait3A_50 : memref<1x80xi32, #tpu.memory_space<hbm>> -> memref<80xi32, #tpu.memory_space<hbm>>
        %dma_wait3A_52 = arith.constant 0 : i32
        %dma_wait3A_53 = tpu.memref_slice %arg3[%add3A_44, %dma_wait3A_52] : memref<4000x80xi32, #tpu.memory_space<hbm>> -> memref<1x80xi32, #tpu.memory_space<hbm>>
        %dma_wait3A_54 = tpu.memref_squeeze %dma_wait3A_53 : memref<1x80xi32, #tpu.memory_space<hbm>> -> memref<80xi32, #tpu.memory_space<hbm>>
        tpu.wait_dma2 semaphore(%run_scoped3A : memref<!tpu.dma_semaphore, #tpu.memory_space<semaphore_mem>>) src(%dma_wait3A_54 : memref<80xi32, #tpu.memory_space<hbm>>) dst(%arg7 : memref<80xi32, #tpu.memory_space<vmem>>)
        tpu.yield
      }) : () -> ()
      "tpu.region"() ({
        %run_scoped3A = tpu.sem_alloc : memref<!tpu.dma_semaphore, #tpu.memory_space<semaphore_mem>>
        %dma_start3A = arith.constant 0 : i32
        %dma_start3A_45 = tpu.memref_slice %arg4[%add3A_44, %dma_start3A] : memref<4000x80xi32, #tpu.memory_space<hbm>> -> memref<1x80xi32, #tpu.memory_space<hbm>>
        %dma_start3A_46 = tpu.memref_squeeze %dma_start3A_45 : memref<1x80xi32, #tpu.memory_space<hbm>> -> memref<80xi32, #tpu.memory_space<hbm>>
        %dma_start3A_47 = arith.constant 0 : i32
        %dma_start3A_48 = tpu.memref_slice %arg4[%add3A_44, %dma_start3A_47] : memref<4000x80xi32, #tpu.memory_space<hbm>> -> memref<1x80xi32, #tpu.memory_space<hbm>>
        %dma_start3A_49 = tpu.memref_squeeze %dma_start3A_48 : memref<1x80xi32, #tpu.memory_space<hbm>> -> memref<80xi32, #tpu.memory_space<hbm>>
        tpu.enqueue_dma source(%dma_start3A_49 : memref<80xi32, #tpu.memory_space<hbm>>) target(%arg8 : memref<80xi32, #tpu.memory_space<vmem>>) target_semaphore(%run_scoped3A : memref<!tpu.dma_semaphore, #tpu.memory_space<semaphore_mem>>)
        %dma_wait3A = arith.constant 0 : i32
        %dma_wait3A_50 = tpu.memref_slice %arg4[%add3A_44, %dma_wait3A] : memref<4000x80xi32, #tpu.memory_space<hbm>> -> memref<1x80xi32, #tpu.memory_space<hbm>>
        %dma_wait3A_51 = tpu.memref_squeeze %dma_wait3A_50 : memref<1x80xi32, #tpu.memory_space<hbm>> -> memref<80xi32, #tpu.memory_space<hbm>>
        %dma_wait3A_52 = arith.constant 0 : i32
        %dma_wait3A_53 = tpu.memref_slice %arg4[%add3A_44, %dma_wait3A_52] : memref<4000x80xi32, #tpu.memory_space<hbm>> -> memref<1x80xi32, #tpu.memory_space<hbm>>
        %dma_wait3A_54 = tpu.memref_squeeze %dma_wait3A_53 : memref<1x80xi32, #tpu.memory_space<hbm>> -> memref<80xi32, #tpu.memory_space<hbm>>
        tpu.wait_dma2 semaphore(%run_scoped3A : memref<!tpu.dma_semaphore, #tpu.memory_space<semaphore_mem>>) src(%dma_wait3A_54 : memref<80xi32, #tpu.memory_space<hbm>>) dst(%arg8 : memref<80xi32, #tpu.memory_space<vmem>>)
        tpu.yield
      }) : () -> ()
      "tpu.region"() ({
        %run_scoped3A = tpu.sem_alloc : memref<!tpu.dma_semaphore, #tpu.memory_space<semaphore_mem>>
        %dma_start3A = arith.constant 0 : i32
        %dma_start3A_45 = arith.constant 0 : i32
        %dma_start3A_46 = tpu.memref_slice %arg2[%dma_start3A, %dma_start3A_45] : memref<10000x128xf32, #tpu.memory_space<hbm>> -> memref<10000x128xf32, #tpu.memory_space<hbm>>
        tpu.enqueue_indirect_dma source(%dma_start3A_46 : memref<10000x128xf32, #tpu.memory_space<hbm>>) target(%arg9 : memref<80x128xf32, #tpu.memory_space<vmem>>) offsets(%arg8 : memref<80xi32, #tpu.memory_space<vmem>>) semaphore(%run_scoped3A : memref<!tpu.dma_semaphore, #tpu.memory_space<semaphore_mem>>)
        %dma_wait3A = arith.constant 0 : i32
        %dma_wait3A_47 = arith.constant 0 : i32
        %dma_wait3A_48 = tpu.memref_slice %arg2[%dma_wait3A, %dma_wait3A_47] : memref<10000x128xf32, #tpu.memory_space<hbm>> -> memref<10000x128xf32, #tpu.memory_space<hbm>>
        tpu.wait_indirect_dma semaphore(%run_scoped3A : memref<!tpu.dma_semaphore, #tpu.memory_space<semaphore_mem>>) src(%dma_wait3A_48 : memref<10000x128xf32, #tpu.memory_space<hbm>>) dst(%arg9 : memref<80x128xf32, #tpu.memory_space<vmem>>)
        tpu.yield
      }) : () -> ()
      "tpu.region"() ({
        %run_scoped3A = tpu.sem_alloc : memref<!tpu.dma_semaphore, #tpu.memory_space<semaphore_mem>>
        %dma_start3A = arith.constant 0 : i32
        %dma_start3A_45 = arith.constant 0 : i32
        %dma_start3A_46 = tpu.memref_slice %arg10[%dma_start3A, %dma_start3A_45] : memref<10240x128xf32, #tpu.memory_space<vmem_shared>> -> memref<10240x128xf32, #tpu.memory_space<vmem_shared>>
        tpu.enqueue_indirect_dma source(%arg9 : memref<80x128xf32, #tpu.memory_space<vmem>>) target(%dma_start3A_46 : memref<10240x128xf32, #tpu.memory_space<vmem_shared>>) offsets(%arg7 : memref<80xi32, #tpu.memory_space<vmem>>) semaphore(%run_scoped3A : memref<!tpu.dma_semaphore, #tpu.memory_space<semaphore_mem>>) {add = true}
        %dma_wait3A = arith.constant 0 : i32
        %dma_wait3A_47 = arith.constant 0 : i32
        %dma_wait3A_48 = tpu.memref_slice %arg10[%dma_wait3A, %dma_wait3A_47] : memref<10240x128xf32, #tpu.memory_space<vmem_shared>> -> memref<10240x128xf32, #tpu.memory_space<vmem_shared>>
        tpu.wait_indirect_dma semaphore(%run_scoped3A : memref<!tpu.dma_semaphore, #tpu.memory_space<semaphore_mem>>) src(%arg9 : memref<80x128xf32, #tpu.memory_space<vmem>>) dst(%dma_wait3A_48 : memref<10240x128xf32, #tpu.memory_space<vmem_shared>>)
        tpu.yield
      }) : () -> ()
    }
    %scan3A_23 = arith.constant 125 : i32
    %barrier3A_24 = arith.constant 0 : index
    tpu.barrier barrier_id(%barrier3A_24)
    %add3A_25 = arith.constant 0 : i32
    %add3A_26 = arith.addi %mul3A_2, %add3A_25 : i32
    "tpu.region"() ({
      %run_scoped3A = tpu.sem_alloc : memref<!tpu.dma_semaphore, #tpu.memory_space<semaphore_mem>>
      %dma_start3A = arith.constant 0 : i32
      %dma_start3A_41 = tpu.memref_slice %arg10[%add3A_26, %dma_start3A] : memref<10240x128xf32, #tpu.memory_space<vmem_shared>> -> memref<80x128xf32, #tpu.memory_space<vmem_shared>>
      %dma_start3A_42 = arith.constant 0 : i32
      %dma_start3A_43 = tpu.memref_slice %arg10[%add3A_26, %dma_start3A_42] : memref<10240x128xf32, #tpu.memory_space<vmem_shared>> -> memref<80x128xf32, #tpu.memory_space<vmem_shared>>
      tpu.enqueue_dma source(%dma_start3A_43 : memref<80x128xf32, #tpu.memory_space<vmem_shared>>) target(%arg9 : memref<80x128xf32, #tpu.memory_space<vmem>>) target_semaphore(%run_scoped3A : memref<!tpu.dma_semaphore, #tpu.memory_space<semaphore_mem>>)
      %dma_wait3A = arith.constant 0 : i32
      %dma_wait3A_44 = tpu.memref_slice %arg10[%add3A_26, %dma_wait3A] : memref<10240x128xf32, #tpu.memory_space<vmem_shared>> -> memref<80x128xf32, #tpu.memory_space<vmem_shared>>
      %dma_wait3A_45 = arith.constant 0 : i32
      %dma_wait3A_46 = tpu.memref_slice %arg10[%add3A_26, %dma_wait3A_45] : memref<10240x128xf32, #tpu.memory_space<vmem_shared>> -> memref<80x128xf32, #tpu.memory_space<vmem_shared>>
      tpu.wait_dma2 semaphore(%run_scoped3A : memref<!tpu.dma_semaphore, #tpu.memory_space<semaphore_mem>>) src(%dma_wait3A_46 : memref<80x128xf32, #tpu.memory_space<vmem_shared>>) dst(%arg9 : memref<80x128xf32, #tpu.memory_space<vmem>>)
      tpu.yield
    }) : () -> ()
    "tpu.region"() ({
      %run_scoped3A = tpu.sem_alloc : memref<!tpu.dma_semaphore, #tpu.memory_space<semaphore_mem>>
      %dma_start3A = arith.constant 0 : i32
      %dma_start3A_41 = tpu.memref_slice %arg6[%arg0, %add3A_26, %dma_start3A] : memref<2x10240x128xf32, #tpu.memory_space<hbm>> -> memref<1x80x128xf32, #tpu.memory_space<hbm>>
      %dma_start3A_42 = tpu.memref_squeeze %dma_start3A_41 : memref<1x80x128xf32, #tpu.memory_space<hbm>> -> memref<80x128xf32, #tpu.memory_space<hbm>>
      %dma_start3A_43 = arith.constant 0 : i32
      %dma_start3A_44 = tpu.memref_slice %arg6[%arg0, %add3A_26, %dma_start3A_43] : memref<2x10240x128xf32, #tpu.memory_space<hbm>> -> memref<1x80x128xf32, #tpu.memory_space<hbm>>
      %dma_start3A_45 = tpu.memref_squeeze %dma_start3A_44 : memref<1x80x128xf32, #tpu.memory_space<hbm>> -> memref<80x128xf32, #tpu.memory_space<hbm>>
      tpu.enqueue_dma source(%arg9 : memref<80x128xf32, #tpu.memory_space<vmem>>) target(%dma_start3A_45 : memref<80x128xf32, #tpu.memory_space<hbm>>) target_semaphore(%run_scoped3A : memref<!tpu.dma_semaphore, #tpu.memory_space<semaphore_mem>>)
      %dma_wait3A = arith.constant 0 : i32
      %dma_wait3A_46 = tpu.memref_slice %arg6[%arg0, %add3A_26, %dma_wait3A] : memref<2x10240x128xf32, #tpu.memory_space<hbm>> -> memref<1x80x128xf32, #tpu.memory_space<hbm>>
      %dma_wait3A_47 = tpu.memref_squeeze %dma_wait3A_46 : memref<1x80x128xf32, #tpu.memory_space<hbm>> -> memref<80x128xf32, #tpu.memory_space<hbm>>
      %dma_wait3A_48 = arith.constant 0 : i32
      %dma_wait3A_49 = tpu.memref_slice %arg6[%arg0, %add3A_26, %dma_wait3A_48] : memref<2x10240x128xf32, #tpu.memory_space<hbm>> -> memref<1x80x128xf32, #tpu.memory_space<hbm>>
      %dma_wait3A_50 = tpu.memref_squeeze %dma_wait3A_49 : memref<1x80x128xf32, #tpu.memory_space<hbm>> -> memref<80x128xf32, #tpu.memory_space<hbm>>
      tpu.wait_dma2 semaphore(%run_scoped3A : memref<!tpu.dma_semaphore, #tpu.memory_space<semaphore_mem>>) src(%arg9 : memref<80x128xf32, #tpu.memory_space<vmem>>) dst(%dma_wait3A_50 : memref<80x128xf32, #tpu.memory_space<hbm>>)
      tpu.yield
    }) : () -> ()
    %add3A_27 = arith.constant 80 : i32
    %add3A_28 = arith.addi %mul3A_2, %add3A_27 : i32
    "tpu.region"() ({
      %run_scoped3A = tpu.sem_alloc : memref<!tpu.dma_semaphore, #tpu.memory_space<semaphore_mem>>
      %dma_start3A = arith.constant 0 : i32
      %dma_start3A_41 = tpu.memref_slice %arg10[%add3A_28, %dma_start3A] : memref<10240x128xf32, #tpu.memory_space<vmem_shared>> -> memref<80x128xf32, #tpu.memory_space<vmem_shared>>
      %dma_start3A_42 = arith.constant 0 : i32
      %dma_start3A_43 = tpu.memref_slice %arg10[%add3A_28, %dma_start3A_42] : memref<10240x128xf32, #tpu.memory_space<vmem_shared>> -> memref<80x128xf32, #tpu.memory_space<vmem_shared>>
      tpu.enqueue_dma source(%dma_start3A_43 : memref<80x128xf32, #tpu.memory_space<vmem_shared>>) target(%arg9 : memref<80x128xf32, #tpu.memory_space<vmem>>) target_semaphore(%run_scoped3A : memref<!tpu.dma_semaphore, #tpu.memory_space<semaphore_mem>>)
      %dma_wait3A = arith.constant 0 : i32
      %dma_wait3A_44 = tpu.memref_slice %arg10[%add3A_28, %dma_wait3A] : memref<10240x128xf32, #tpu.memory_space<vmem_shared>> -> memref<80x128xf32, #tpu.memory_space<vmem_shared>>
      %dma_wait3A_45 = arith.constant 0 : i32
      %dma_wait3A_46 = tpu.memref_slice %arg10[%add3A_28, %dma_wait3A_45] : memref<10240x128xf32, #tpu.memory_space<vmem_shared>> -> memref<80x128xf32, #tpu.memory_space<vmem_shared>>
      tpu.wait_dma2 semaphore(%run_scoped3A : memref<!tpu.dma_semaphore, #tpu.memory_space<semaphore_mem>>) src(%dma_wait3A_46 : memref<80x128xf32, #tpu.memory_space<vmem_shared>>) dst(%arg9 : memref<80x128xf32, #tpu.memory_space<vmem>>)
      tpu.yield
    }) : () -> ()
    "tpu.region"() ({
      %run_scoped3A = tpu.sem_alloc : memref<!tpu.dma_semaphore, #tpu.memory_space<semaphore_mem>>
      %dma_start3A = arith.constant 0 : i32
      %dma_start3A_41 = tpu.memref_slice %arg6[%arg0, %add3A_28, %dma_start3A] : memref<2x10240x128xf32, #tpu.memory_space<hbm>> -> memref<1x80x128xf32, #tpu.memory_space<hbm>>
      %dma_start3A_42 = tpu.memref_squeeze %dma_start3A_41 : memref<1x80x128xf32, #tpu.memory_space<hbm>> -> memref<80x128xf32, #tpu.memory_space<hbm>>
      %dma_start3A_43 = arith.constant 0 : i32
      %dma_start3A_44 = tpu.memref_slice %arg6[%arg0, %add3A_28, %dma_start3A_43] : memref<2x10240x128xf32, #tpu.memory_space<hbm>> -> memref<1x80x128xf32, #tpu.memory_space<hbm>>
      %dma_start3A_45 = tpu.memref_squeeze %dma_start3A_44 : memref<1x80x128xf32, #tpu.memory_space<hbm>> -> memref<80x128xf32, #tpu.memory_space<hbm>>
      tpu.enqueue_dma source(%arg9 : memref<80x128xf32, #tpu.memory_space<vmem>>) target(%dma_start3A_45 : memref<80x128xf32, #tpu.memory_space<hbm>>) target_semaphore(%run_scoped3A : memref<!tpu.dma_semaphore, #tpu.memory_space<semaphore_mem>>)
      %dma_wait3A = arith.constant 0 : i32
      %dma_wait3A_46 = tpu.memref_slice %arg6[%arg0, %add3A_28, %dma_wait3A] : memref<2x10240x128xf32, #tpu.memory_space<hbm>> -> memref<1x80x128xf32, #tpu.memory_space<hbm>>
      %dma_wait3A_47 = tpu.memref_squeeze %dma_wait3A_46 : memref<1x80x128xf32, #tpu.memory_space<hbm>> -> memref<80x128xf32, #tpu.memory_space<hbm>>
      %dma_wait3A_48 = arith.constant 0 : i32
      %dma_wait3A_49 = tpu.memref_slice %arg6[%arg0, %add3A_28, %dma_wait3A_48] : memref<2x10240x128xf32, #tpu.memory_space<hbm>> -> memref<1x80x128xf32, #tpu.memory_space<hbm>>
      %dma_wait3A_50 = tpu.memref_squeeze %dma_wait3A_49 : memref<1x80x128xf32, #tpu.memory_space<hbm>> -> memref<80x128xf32, #tpu.memory_space<hbm>>
      tpu.wait_dma2 semaphore(%run_scoped3A : memref<!tpu.dma_semaphore, #tpu.memory_space<semaphore_mem>>) src(%arg9 : memref<80x128xf32, #tpu.memory_space<vmem>>) dst(%dma_wait3A_50 : memref<80x128xf32, #tpu.memory_space<hbm>>)
      tpu.yield
    }) : () -> ()
    %add3A_29 = arith.constant 160 : i32
    %add3A_30 = arith.addi %mul3A_2, %add3A_29 : i32
    "tpu.region"() ({
      %run_scoped3A = tpu.sem_alloc : memref<!tpu.dma_semaphore, #tpu.memory_space<semaphore_mem>>
      %dma_start3A = arith.constant 0 : i32
      %dma_start3A_41 = tpu.memref_slice %arg10[%add3A_30, %dma_start3A] : memref<10240x128xf32, #tpu.memory_space<vmem_shared>> -> memref<80x128xf32, #tpu.memory_space<vmem_shared>>
      %dma_start3A_42 = arith.constant 0 : i32
      %dma_start3A_43 = tpu.memref_slice %arg10[%add3A_30, %dma_start3A_42] : memref<10240x128xf32, #tpu.memory_space<vmem_shared>> -> memref<80x128xf32, #tpu.memory_space<vmem_shared>>
      tpu.enqueue_dma source(%dma_start3A_43 : memref<80x128xf32, #tpu.memory_space<vmem_shared>>) target(%arg9 : memref<80x128xf32, #tpu.memory_space<vmem>>) target_semaphore(%run_scoped3A : memref<!tpu.dma_semaphore, #tpu.memory_space<semaphore_mem>>)
      %dma_wait3A = arith.constant 0 : i32
      %dma_wait3A_44 = tpu.memref_slice %arg10[%add3A_30, %dma_wait3A] : memref<10240x128xf32, #tpu.memory_space<vmem_shared>> -> memref<80x128xf32, #tpu.memory_space<vmem_shared>>
      %dma_wait3A_45 = arith.constant 0 : i32
      %dma_wait3A_46 = tpu.memref_slice %arg10[%add3A_30, %dma_wait3A_45] : memref<10240x128xf32, #tpu.memory_space<vmem_shared>> -> memref<80x128xf32, #tpu.memory_space<vmem_shared>>
      tpu.wait_dma2 semaphore(%run_scoped3A : memref<!tpu.dma_semaphore, #tpu.memory_space<semaphore_mem>>) src(%dma_wait3A_46 : memref<80x128xf32, #tpu.memory_space<vmem_shared>>) dst(%arg9 : memref<80x128xf32, #tpu.memory_space<vmem>>)
      tpu.yield
    }) : () -> ()
    "tpu.region"() ({
      %run_scoped3A = tpu.sem_alloc : memref<!tpu.dma_semaphore, #tpu.memory_space<semaphore_mem>>
      %dma_start3A = arith.constant 0 : i32
      %dma_start3A_41 = tpu.memref_slice %arg6[%arg0, %add3A_30, %dma_start3A] : memref<2x10240x128xf32, #tpu.memory_space<hbm>> -> memref<1x80x128xf32, #tpu.memory_space<hbm>>
      %dma_start3A_42 = tpu.memref_squeeze %dma_start3A_41 : memref<1x80x128xf32, #tpu.memory_space<hbm>> -> memref<80x128xf32, #tpu.memory_space<hbm>>
      %dma_start3A_43 = arith.constant 0 : i32
      %dma_start3A_44 = tpu.memref_slice %arg6[%arg0, %add3A_30, %dma_start3A_43] : memref<2x10240x128xf32, #tpu.memory_space<hbm>> -> memref<1x80x128xf32, #tpu.memory_space<hbm>>
      %dma_start3A_45 = tpu.memref_squeeze %dma_start3A_44 : memref<1x80x128xf32, #tpu.memory_space<hbm>> -> memref<80x128xf32, #tpu.memory_space<hbm>>
      tpu.enqueue_dma source(%arg9 : memref<80x128xf32, #tpu.memory_space<vmem>>) target(%dma_start3A_45 : memref<80x128xf32, #tpu.memory_space<hbm>>) target_semaphore(%run_scoped3A : memref<!tpu.dma_semaphore, #tpu.memory_space<semaphore_mem>>)
      %dma_wait3A = arith.constant 0 : i32
      %dma_wait3A_46 = tpu.memref_slice %arg6[%arg0, %add3A_30, %dma_wait3A] : memref<2x10240x128xf32, #tpu.memory_space<hbm>> -> memref<1x80x128xf32, #tpu.memory_space<hbm>>
      %dma_wait3A_47 = tpu.memref_squeeze %dma_wait3A_46 : memref<1x80x128xf32, #tpu.memory_space<hbm>> -> memref<80x128xf32, #tpu.memory_space<hbm>>
      %dma_wait3A_48 = arith.constant 0 : i32
      %dma_wait3A_49 = tpu.memref_slice %arg6[%arg0, %add3A_30, %dma_wait3A_48] : memref<2x10240x128xf32, #tpu.memory_space<hbm>> -> memref<1x80x128xf32, #tpu.memory_space<hbm>>
      %dma_wait3A_50 = tpu.memref_squeeze %dma_wait3A_49 : memref<1x80x128xf32, #tpu.memory_space<hbm>> -> memref<80x128xf32, #tpu.memory_space<hbm>>
      tpu.wait_dma2 semaphore(%run_scoped3A : memref<!tpu.dma_semaphore, #tpu.memory_space<semaphore_mem>>) src(%arg9 : memref<80x128xf32, #tpu.memory_space<vmem>>) dst(%dma_wait3A_50 : memref<80x128xf32, #tpu.memory_space<hbm>>)
      tpu.yield
    }) : () -> ()
    %add3A_31 = arith.constant 240 : i32
    %add3A_32 = arith.addi %mul3A_2, %add3A_31 : i32
    "tpu.region"() ({
      %run_scoped3A = tpu.sem_alloc : memref<!tpu.dma_semaphore, #tpu.memory_space<semaphore_mem>>
      %dma_start3A = arith.constant 0 : i32
      %dma_start3A_41 = tpu.memref_slice %arg10[%add3A_32, %dma_start3A] : memref<10240x128xf32, #tpu.memory_space<vmem_shared>> -> memref<80x128xf32, #tpu.memory_space<vmem_shared>>
      %dma_start3A_42 = arith.constant 0 : i32
      %dma_start3A_43 = tpu.memref_slice %arg10[%add3A_32, %dma_start3A_42] : memref<10240x128xf32, #tpu.memory_space<vmem_shared>> -> memref<80x128xf32, #tpu.memory_space<vmem_shared>>
      tpu.enqueue_dma source(%dma_start3A_43 : memref<80x128xf32, #tpu.memory_space<vmem_shared>>) target(%arg9 : memref<80x128xf32, #tpu.memory_space<vmem>>) target_semaphore(%run_scoped3A : memref<!tpu.dma_semaphore, #tpu.memory_space<semaphore_mem>>)
      %dma_wait3A = arith.constant 0 : i32
      %dma_wait3A_44 = tpu.memref_slice %arg10[%add3A_32, %dma_wait3A] : memref<10240x128xf32, #tpu.memory_space<vmem_shared>> -> memref<80x128xf32, #tpu.memory_space<vmem_shared>>
      %dma_wait3A_45 = arith.constant 0 : i32
      %dma_wait3A_46 = tpu.memref_slice %arg10[%add3A_32, %dma_wait3A_45] : memref<10240x128xf32, #tpu.memory_space<vmem_shared>> -> memref<80x128xf32, #tpu.memory_space<vmem_shared>>
      tpu.wait_dma2 semaphore(%run_scoped3A : memref<!tpu.dma_semaphore, #tpu.memory_space<semaphore_mem>>) src(%dma_wait3A_46 : memref<80x128xf32, #tpu.memory_space<vmem_shared>>) dst(%arg9 : memref<80x128xf32, #tpu.memory_space<vmem>>)
      tpu.yield
    }) : () -> ()
    "tpu.region"() ({
      %run_scoped3A = tpu.sem_alloc : memref<!tpu.dma_semaphore, #tpu.memory_space<semaphore_mem>>
      %dma_start3A = arith.constant 0 : i32
      %dma_start3A_41 = tpu.memref_slice %arg6[%arg0, %add3A_32, %dma_start3A] : memref<2x10240x128xf32, #tpu.memory_space<hbm>> -> memref<1x80x128xf32, #tpu.memory_space<hbm>>
      %dma_start3A_42 = tpu.memref_squeeze %dma_start3A_41 : memref<1x80x128xf32, #tpu.memory_space<hbm>> -> memref<80x128xf32, #tpu.memory_space<hbm>>
      %dma_start3A_43 = arith.constant 0 : i32
      %dma_start3A_44 = tpu.memref_slice %arg6[%arg0, %add3A_32, %dma_start3A_43] : memref<2x10240x128xf32, #tpu.memory_space<hbm>> -> memref<1x80x128xf32, #tpu.memory_space<hbm>>
      %dma_start3A_45 = tpu.memref_squeeze %dma_start3A_44 : memref<1x80x128xf32, #tpu.memory_space<hbm>> -> memref<80x128xf32, #tpu.memory_space<hbm>>
      tpu.enqueue_dma source(%arg9 : memref<80x128xf32, #tpu.memory_space<vmem>>) target(%dma_start3A_45 : memref<80x128xf32, #tpu.memory_space<hbm>>) target_semaphore(%run_scoped3A : memref<!tpu.dma_semaphore, #tpu.memory_space<semaphore_mem>>)
      %dma_wait3A = arith.constant 0 : i32
      %dma_wait3A_46 = tpu.memref_slice %arg6[%arg0, %add3A_32, %dma_wait3A] : memref<2x10240x128xf32, #tpu.memory_space<hbm>> -> memref<1x80x128xf32, #tpu.memory_space<hbm>>
      %dma_wait3A_47 = tpu.memref_squeeze %dma_wait3A_46 : memref<1x80x128xf32, #tpu.memory_space<hbm>> -> memref<80x128xf32, #tpu.memory_space<hbm>>
      %dma_wait3A_48 = arith.constant 0 : i32
      %dma_wait3A_49 = tpu.memref_slice %arg6[%arg0, %add3A_32, %dma_wait3A_48] : memref<2x10240x128xf32, #tpu.memory_space<hbm>> -> memref<1x80x128xf32, #tpu.memory_space<hbm>>
      %dma_wait3A_50 = tpu.memref_squeeze %dma_wait3A_49 : memref<1x80x128xf32, #tpu.memory_space<hbm>> -> memref<80x128xf32, #tpu.memory_space<hbm>>
      tpu.wait_dma2 semaphore(%run_scoped3A : memref<!tpu.dma_semaphore, #tpu.memory_space<semaphore_mem>>) src(%arg9 : memref<80x128xf32, #tpu.memory_space<vmem>>) dst(%dma_wait3A_50 : memref<80x128xf32, #tpu.memory_space<hbm>>)
      tpu.yield
    }) : () -> ()
    %add3A_33 = arith.constant 320 : i32
    %add3A_34 = arith.addi %mul3A_2, %add3A_33 : i32
    "tpu.region"() ({
      %run_scoped3A = tpu.sem_alloc : memref<!tpu.dma_semaphore, #tpu.memory_space<semaphore_mem>>
      %dma_start3A = arith.constant 0 : i32
      %dma_start3A_41 = tpu.memref_slice %arg10[%add3A_34, %dma_start3A] : memref<10240x128xf32, #tpu.memory_space<vmem_shared>> -> memref<80x128xf32, #tpu.memory_space<vmem_shared>>
      %dma_start3A_42 = arith.constant 0 : i32
      %dma_start3A_43 = tpu.memref_slice %arg10[%add3A_34, %dma_start3A_42] : memref<10240x128xf32, #tpu.memory_space<vmem_shared>> -> memref<80x128xf32, #tpu.memory_space<vmem_shared>>
      tpu.enqueue_dma source(%dma_start3A_43 : memref<80x128xf32, #tpu.memory_space<vmem_shared>>) target(%arg9 : memref<80x128xf32, #tpu.memory_space<vmem>>) target_semaphore(%run_scoped3A : memref<!tpu.dma_semaphore, #tpu.memory_space<semaphore_mem>>)
      %dma_wait3A = arith.constant 0 : i32
      %dma_wait3A_44 = tpu.memref_slice %arg10[%add3A_34, %dma_wait3A] : memref<10240x128xf32, #tpu.memory_space<vmem_shared>> -> memref<80x128xf32, #tpu.memory_space<vmem_shared>>
      %dma_wait3A_45 = arith.constant 0 : i32
      %dma_wait3A_46 = tpu.memref_slice %arg10[%add3A_34, %dma_wait3A_45] : memref<10240x128xf32, #tpu.memory_space<vmem_shared>> -> memref<80x128xf32, #tpu.memory_space<vmem_shared>>
      tpu.wait_dma2 semaphore(%run_scoped3A : memref<!tpu.dma_semaphore, #tpu.memory_space<semaphore_mem>>) src(%dma_wait3A_46 : memref<80x128xf32, #tpu.memory_space<vmem_shared>>) dst(%arg9 : memref<80x128xf32, #tpu.memory_space<vmem>>)
      tpu.yield
    }) : () -> ()
    "tpu.region"() ({
      %run_scoped3A = tpu.sem_alloc : memref<!tpu.dma_semaphore, #tpu.memory_space<semaphore_mem>>
      %dma_start3A = arith.constant 0 : i32
      %dma_start3A_41 = tpu.memref_slice %arg6[%arg0, %add3A_34, %dma_start3A] : memref<2x10240x128xf32, #tpu.memory_space<hbm>> -> memref<1x80x128xf32, #tpu.memory_space<hbm>>
      %dma_start3A_42 = tpu.memref_squeeze %dma_start3A_41 : memref<1x80x128xf32, #tpu.memory_space<hbm>> -> memref<80x128xf32, #tpu.memory_space<hbm>>
      %dma_start3A_43 = arith.constant 0 : i32
      %dma_start3A_44 = tpu.memref_slice %arg6[%arg0, %add3A_34, %dma_start3A_43] : memref<2x10240x128xf32, #tpu.memory_space<hbm>> -> memref<1x80x128xf32, #tpu.memory_space<hbm>>
      %dma_start3A_45 = tpu.memref_squeeze %dma_start3A_44 : memref<1x80x128xf32, #tpu.memory_space<hbm>> -> memref<80x128xf32, #tpu.memory_space<hbm>>
      tpu.enqueue_dma source(%arg9 : memref<80x128xf32, #tpu.memory_space<vmem>>) target(%dma_start3A_45 : memref<80x128xf32, #tpu.memory_space<hbm>>) target_semaphore(%run_scoped3A : memref<!tpu.dma_semaphore, #tpu.memory_space<semaphore_mem>>)
      %dma_wait3A = arith.constant 0 : i32
      %dma_wait3A_46 = tpu.memref_slice %arg6[%arg0, %add3A_34, %dma_wait3A] : memref<2x10240x128xf32, #tpu.memory_space<hbm>> -> memref<1x80x128xf32, #tpu.memory_space<hbm>>
      %dma_wait3A_47 = tpu.memref_squeeze %dma_wait3A_46 : memref<1x80x128xf32, #tpu.memory_space<hbm>> -> memref<80x128xf32, #tpu.memory_space<hbm>>
      %dma_wait3A_48 = arith.constant 0 : i32
      %dma_wait3A_49 = tpu.memref_slice %arg6[%arg0, %add3A_34, %dma_wait3A_48] : memref<2x10240x128xf32, #tpu.memory_space<hbm>> -> memref<1x80x128xf32, #tpu.memory_space<hbm>>
      %dma_wait3A_50 = tpu.memref_squeeze %dma_wait3A_49 : memref<1x80x128xf32, #tpu.memory_space<hbm>> -> memref<80x128xf32, #tpu.memory_space<hbm>>
      tpu.wait_dma2 semaphore(%run_scoped3A : memref<!tpu.dma_semaphore, #tpu.memory_space<semaphore_mem>>) src(%arg9 : memref<80x128xf32, #tpu.memory_space<vmem>>) dst(%dma_wait3A_50 : memref<80x128xf32, #tpu.memory_space<hbm>>)
      tpu.yield
    }) : () -> ()
    %add3A_35 = arith.constant 400 : i32
    %add3A_36 = arith.addi %mul3A_2, %add3A_35 : i32
    "tpu.region"() ({
      %run_scoped3A = tpu.sem_alloc : memref<!tpu.dma_semaphore, #tpu.memory_space<semaphore_mem>>
      %dma_start3A = arith.constant 0 : i32
      %dma_start3A_41 = tpu.memref_slice %arg10[%add3A_36, %dma_start3A] : memref<10240x128xf32, #tpu.memory_space<vmem_shared>> -> memref<80x128xf32, #tpu.memory_space<vmem_shared>>
      %dma_start3A_42 = arith.constant 0 : i32
      %dma_start3A_43 = tpu.memref_slice %arg10[%add3A_36, %dma_start3A_42] : memref<10240x128xf32, #tpu.memory_space<vmem_shared>> -> memref<80x128xf32, #tpu.memory_space<vmem_shared>>
      tpu.enqueue_dma source(%dma_start3A_43 : memref<80x128xf32, #tpu.memory_space<vmem_shared>>) target(%arg9 : memref<80x128xf32, #tpu.memory_space<vmem>>) target_semaphore(%run_scoped3A : memref<!tpu.dma_semaphore, #tpu.memory_space<semaphore_mem>>)
      %dma_wait3A = arith.constant 0 : i32
      %dma_wait3A_44 = tpu.memref_slice %arg10[%add3A_36, %dma_wait3A] : memref<10240x128xf32, #tpu.memory_space<vmem_shared>> -> memref<80x128xf32, #tpu.memory_space<vmem_shared>>
      %dma_wait3A_45 = arith.constant 0 : i32
      %dma_wait3A_46 = tpu.memref_slice %arg10[%add3A_36, %dma_wait3A_45] : memref<10240x128xf32, #tpu.memory_space<vmem_shared>> -> memref<80x128xf32, #tpu.memory_space<vmem_shared>>
      tpu.wait_dma2 semaphore(%run_scoped3A : memref<!tpu.dma_semaphore, #tpu.memory_space<semaphore_mem>>) src(%dma_wait3A_46 : memref<80x128xf32, #tpu.memory_space<vmem_shared>>) dst(%arg9 : memref<80x128xf32, #tpu.memory_space<vmem>>)
      tpu.yield
    }) : () -> ()
    "tpu.region"() ({
      %run_scoped3A = tpu.sem_alloc : memref<!tpu.dma_semaphore, #tpu.memory_space<semaphore_mem>>
      %dma_start3A = arith.constant 0 : i32
      %dma_start3A_41 = tpu.memref_slice %arg6[%arg0, %add3A_36, %dma_start3A] : memref<2x10240x128xf32, #tpu.memory_space<hbm>> -> memref<1x80x128xf32, #tpu.memory_space<hbm>>
      %dma_start3A_42 = tpu.memref_squeeze %dma_start3A_41 : memref<1x80x128xf32, #tpu.memory_space<hbm>> -> memref<80x128xf32, #tpu.memory_space<hbm>>
      %dma_start3A_43 = arith.constant 0 : i32
      %dma_start3A_44 = tpu.memref_slice %arg6[%arg0, %add3A_36, %dma_start3A_43] : memref<2x10240x128xf32, #tpu.memory_space<hbm>> -> memref<1x80x128xf32, #tpu.memory_space<hbm>>
      %dma_start3A_45 = tpu.memref_squeeze %dma_start3A_44 : memref<1x80x128xf32, #tpu.memory_space<hbm>> -> memref<80x128xf32, #tpu.memory_space<hbm>>
      tpu.enqueue_dma source(%arg9 : memref<80x128xf32, #tpu.memory_space<vmem>>) target(%dma_start3A_45 : memref<80x128xf32, #tpu.memory_space<hbm>>) target_semaphore(%run_scoped3A : memref<!tpu.dma_semaphore, #tpu.memory_space<semaphore_mem>>)
      %dma_wait3A = arith.constant 0 : i32
      %dma_wait3A_46 = tpu.memref_slice %arg6[%arg0, %add3A_36, %dma_wait3A] : memref<2x10240x128xf32, #tpu.memory_space<hbm>> -> memref<1x80x128xf32, #tpu.memory_space<hbm>>
      %dma_wait3A_47 = tpu.memref_squeeze %dma_wait3A_46 : memref<1x80x128xf32, #tpu.memory_space<hbm>> -> memref<80x128xf32, #tpu.memory_space<hbm>>
      %dma_wait3A_48 = arith.constant 0 : i32
      %dma_wait3A_49 = tpu.memref_slice %arg6[%arg0, %add3A_36, %dma_wait3A_48] : memref<2x10240x128xf32, #tpu.memory_space<hbm>> -> memref<1x80x128xf32, #tpu.memory_space<hbm>>
      %dma_wait3A_50 = tpu.memref_squeeze %dma_wait3A_49 : memref<1x80x128xf32, #tpu.memory_space<hbm>> -> memref<80x128xf32, #tpu.memory_space<hbm>>
      tpu.wait_dma2 semaphore(%run_scoped3A : memref<!tpu.dma_semaphore, #tpu.memory_space<semaphore_mem>>) src(%arg9 : memref<80x128xf32, #tpu.memory_space<vmem>>) dst(%dma_wait3A_50 : memref<80x128xf32, #tpu.memory_space<hbm>>)
      tpu.yield
    }) : () -> ()
    %add3A_37 = arith.constant 480 : i32
    %add3A_38 = arith.addi %mul3A_2, %add3A_37 : i32
    "tpu.region"() ({
      %run_scoped3A = tpu.sem_alloc : memref<!tpu.dma_semaphore, #tpu.memory_space<semaphore_mem>>
      %dma_start3A = arith.constant 0 : i32
      %dma_start3A_41 = tpu.memref_slice %arg10[%add3A_38, %dma_start3A] : memref<10240x128xf32, #tpu.memory_space<vmem_shared>> -> memref<80x128xf32, #tpu.memory_space<vmem_shared>>
      %dma_start3A_42 = arith.constant 0 : i32
      %dma_start3A_43 = tpu.memref_slice %arg10[%add3A_38, %dma_start3A_42] : memref<10240x128xf32, #tpu.memory_space<vmem_shared>> -> memref<80x128xf32, #tpu.memory_space<vmem_shared>>
      tpu.enqueue_dma source(%dma_start3A_43 : memref<80x128xf32, #tpu.memory_space<vmem_shared>>) target(%arg9 : memref<80x128xf32, #tpu.memory_space<vmem>>) target_semaphore(%run_scoped3A : memref<!tpu.dma_semaphore, #tpu.memory_space<semaphore_mem>>)
      %dma_wait3A = arith.constant 0 : i32
      %dma_wait3A_44 = tpu.memref_slice %arg10[%add3A_38, %dma_wait3A] : memref<10240x128xf32, #tpu.memory_space<vmem_shared>> -> memref<80x128xf32, #tpu.memory_space<vmem_shared>>
      %dma_wait3A_45 = arith.constant 0 : i32
      %dma_wait3A_46 = tpu.memref_slice %arg10[%add3A_38, %dma_wait3A_45] : memref<10240x128xf32, #tpu.memory_space<vmem_shared>> -> memref<80x128xf32, #tpu.memory_space<vmem_shared>>
      tpu.wait_dma2 semaphore(%run_scoped3A : memref<!tpu.dma_semaphore, #tpu.memory_space<semaphore_mem>>) src(%dma_wait3A_46 : memref<80x128xf32, #tpu.memory_space<vmem_shared>>) dst(%arg9 : memref<80x128xf32, #tpu.memory_space<vmem>>)
      tpu.yield
    }) : () -> ()
    "tpu.region"() ({
      %run_scoped3A = tpu.sem_alloc : memref<!tpu.dma_semaphore, #tpu.memory_space<semaphore_mem>>
      %dma_start3A = arith.constant 0 : i32
      %dma_start3A_41 = tpu.memref_slice %arg6[%arg0, %add3A_38, %dma_start3A] : memref<2x10240x128xf32, #tpu.memory_space<hbm>> -> memref<1x80x128xf32, #tpu.memory_space<hbm>>
      %dma_start3A_42 = tpu.memref_squeeze %dma_start3A_41 : memref<1x80x128xf32, #tpu.memory_space<hbm>> -> memref<80x128xf32, #tpu.memory_space<hbm>>
      %dma_start3A_43 = arith.constant 0 : i32
      %dma_start3A_44 = tpu.memref_slice %arg6[%arg0, %add3A_38, %dma_start3A_43] : memref<2x10240x128xf32, #tpu.memory_space<hbm>> -> memref<1x80x128xf32, #tpu.memory_space<hbm>>
      %dma_start3A_45 = tpu.memref_squeeze %dma_start3A_44 : memref<1x80x128xf32, #tpu.memory_space<hbm>> -> memref<80x128xf32, #tpu.memory_space<hbm>>
      tpu.enqueue_dma source(%arg9 : memref<80x128xf32, #tpu.memory_space<vmem>>) target(%dma_start3A_45 : memref<80x128xf32, #tpu.memory_space<hbm>>) target_semaphore(%run_scoped3A : memref<!tpu.dma_semaphore, #tpu.memory_space<semaphore_mem>>)
      %dma_wait3A = arith.constant 0 : i32
      %dma_wait3A_46 = tpu.memref_slice %arg6[%arg0, %add3A_38, %dma_wait3A] : memref<2x10240x128xf32, #tpu.memory_space<hbm>> -> memref<1x80x128xf32, #tpu.memory_space<hbm>>
      %dma_wait3A_47 = tpu.memref_squeeze %dma_wait3A_46 : memref<1x80x128xf32, #tpu.memory_space<hbm>> -> memref<80x128xf32, #tpu.memory_space<hbm>>
      %dma_wait3A_48 = arith.constant 0 : i32
      %dma_wait3A_49 = tpu.memref_slice %arg6[%arg0, %add3A_38, %dma_wait3A_48] : memref<2x10240x128xf32, #tpu.memory_space<hbm>> -> memref<1x80x128xf32, #tpu.memory_space<hbm>>
      %dma_wait3A_50 = tpu.memref_squeeze %dma_wait3A_49 : memref<1x80x128xf32, #tpu.memory_space<hbm>> -> memref<80x128xf32, #tpu.memory_space<hbm>>
      tpu.wait_dma2 semaphore(%run_scoped3A : memref<!tpu.dma_semaphore, #tpu.memory_space<semaphore_mem>>) src(%arg9 : memref<80x128xf32, #tpu.memory_space<vmem>>) dst(%dma_wait3A_50 : memref<80x128xf32, #tpu.memory_space<hbm>>)
      tpu.yield
    }) : () -> ()
    %add3A_39 = arith.constant 560 : i32
    %add3A_40 = arith.addi %mul3A_2, %add3A_39 : i32
    "tpu.region"() ({
      %run_scoped3A = tpu.sem_alloc : memref<!tpu.dma_semaphore, #tpu.memory_space<semaphore_mem>>
      %dma_start3A = arith.constant 0 : i32
      %dma_start3A_41 = tpu.memref_slice %arg10[%add3A_40, %dma_start3A] : memref<10240x128xf32, #tpu.memory_space<vmem_shared>> -> memref<80x128xf32, #tpu.memory_space<vmem_shared>>
      %dma_start3A_42 = arith.constant 0 : i32
      %dma_start3A_43 = tpu.memref_slice %arg10[%add3A_40, %dma_start3A_42] : memref<10240x128xf32, #tpu.memory_space<vmem_shared>> -> memref<80x128xf32, #tpu.memory_space<vmem_shared>>
      tpu.enqueue_dma source(%dma_start3A_43 : memref<80x128xf32, #tpu.memory_space<vmem_shared>>) target(%arg9 : memref<80x128xf32, #tpu.memory_space<vmem>>) target_semaphore(%run_scoped3A : memref<!tpu.dma_semaphore, #tpu.memory_space<semaphore_mem>>)
      %dma_wait3A = arith.constant 0 : i32
      %dma_wait3A_44 = tpu.memref_slice %arg10[%add3A_40, %dma_wait3A] : memref<10240x128xf32, #tpu.memory_space<vmem_shared>> -> memref<80x128xf32, #tpu.memory_space<vmem_shared>>
      %dma_wait3A_45 = arith.constant 0 : i32
      %dma_wait3A_46 = tpu.memref_slice %arg10[%add3A_40, %dma_wait3A_45] : memref<10240x128xf32, #tpu.memory_space<vmem_shared>> -> memref<80x128xf32, #tpu.memory_space<vmem_shared>>
      tpu.wait_dma2 semaphore(%run_scoped3A : memref<!tpu.dma_semaphore, #tpu.memory_space<semaphore_mem>>) src(%dma_wait3A_46 : memref<80x128xf32, #tpu.memory_space<vmem_shared>>) dst(%arg9 : memref<80x128xf32, #tpu.memory_space<vmem>>)
      tpu.yield
    }) : () -> ()
    "tpu.region"() ({
      %run_scoped3A = tpu.sem_alloc : memref<!tpu.dma_semaphore, #tpu.memory_space<semaphore_mem>>
      %dma_start3A = arith.constant 0 : i32
      %dma_start3A_41 = tpu.memref_slice %arg6[%arg0, %add3A_40, %dma_start3A] : memref<2x10240x128xf32, #tpu.memory_space<hbm>> -> memref<1x80x128xf32, #tpu.memory_space<hbm>>
      %dma_start3A_42 = tpu.memref_squeeze %dma_start3A_41 : memref<1x80x128xf32, #tpu.memory_space<hbm>> -> memref<80x128xf32, #tpu.memory_space<hbm>>
      %dma_start3A_43 = arith.constant 0 : i32
      %dma_start3A_44 = tpu.memref_slice %arg6[%arg0, %add3A_40, %dma_start3A_43] : memref<2x10240x128xf32, #tpu.memory_space<hbm>> -> memref<1x80x128xf32, #tpu.memory_space<hbm>>
      %dma_start3A_45 = tpu.memref_squeeze %dma_start3A_44 : memref<1x80x128xf32, #tpu.memory_space<hbm>> -> memref<80x128xf32, #tpu.memory_space<hbm>>
      tpu.enqueue_dma source(%arg9 : memref<80x128xf32, #tpu.memory_space<vmem>>) target(%dma_start3A_45 : memref<80x128xf32, #tpu.memory_space<hbm>>) target_semaphore(%run_scoped3A : memref<!tpu.dma_semaphore, #tpu.memory_space<semaphore_mem>>)
      %dma_wait3A = arith.constant 0 : i32
      %dma_wait3A_46 = tpu.memref_slice %arg6[%arg0, %add3A_40, %dma_wait3A] : memref<2x10240x128xf32, #tpu.memory_space<hbm>> -> memref<1x80x128xf32, #tpu.memory_space<hbm>>
      %dma_wait3A_47 = tpu.memref_squeeze %dma_wait3A_46 : memref<1x80x128xf32, #tpu.memory_space<hbm>> -> memref<80x128xf32, #tpu.memory_space<hbm>>
      %dma_wait3A_48 = arith.constant 0 : i32
      %dma_wait3A_49 = tpu.memref_slice %arg6[%arg0, %add3A_40, %dma_wait3A_48] : memref<2x10240x128xf32, #tpu.memory_space<hbm>> -> memref<1x80x128xf32, #tpu.memory_space<hbm>>
      %dma_wait3A_50 = tpu.memref_squeeze %dma_wait3A_49 : memref<1x80x128xf32, #tpu.memory_space<hbm>> -> memref<80x128xf32, #tpu.memory_space<hbm>>
      tpu.wait_dma2 semaphore(%run_scoped3A : memref<!tpu.dma_semaphore, #tpu.memory_space<semaphore_mem>>) src(%arg9 : memref<80x128xf32, #tpu.memory_space<vmem>>) dst(%dma_wait3A_50 : memref<80x128xf32, #tpu.memory_space<hbm>>)
      tpu.yield
    }) : () -> ()
    return
  }
}

#map = affine_map<(d0, d1) -> (0, 0)>
#map1 = affine_map<(d0, d1) -> (0, 0, 0)>
module attributes {stable_mosaic.version = 14 : i64} {
  func.func @k2(%arg0: i32, %arg1: i32, %arg2: memref<320000x80xf32, #tpu.memory_space<hbm>>, %arg3: memref<4000x80xi32, #tpu.memory_space<hbm>>, %arg4: memref<80x80xf32, #tpu.memory_space<hbm>>, %arg5: memref<2x10240x80xf32, #tpu.memory_space<hbm>>, %arg6: memref<80xi32, #tpu.memory_space<vmem>>, %arg7: memref<80x80xf32, #tpu.memory_space<vmem>>, %arg8: memref<10240x80xf32, #tpu.memory_space<vmem_shared>>) attributes {dimension_semantics = [#tpu.dimension_semantics<core_parallel>, #tpu.dimension_semantics<subcore_parallel>], iteration_bounds = array<i64: 2, 16>, scalar_prefetch = 0 : i64, scratch_operands = 3 : i64, tpu.core_type = #tpu.core_type<sc_vector_subcore>, window_params = [{transform_indices = #map}, {transform_indices = #map}, {transform_indices = #map}, {transform_indices = #map1}]} {
    %mul3A = arith.constant 2 : i32
    %mul3A_0 = arith.muli %arg1, %mul3A : i32
    %add3A = arith.addi %mul3A_0, %arg0 : i32
    %mul3A_1 = arith.constant 640 : i32
    %mul3A_2 = arith.muli %arg1, %mul3A_1 : i32
    "tpu.region"() ({
      %run_scoped3A = tpu.sem_alloc : memref<!tpu.dma_semaphore, #tpu.memory_space<semaphore_mem>>
      tpu.enqueue_dma source(%arg4 : memref<80x80xf32, #tpu.memory_space<hbm>>) target(%arg7 : memref<80x80xf32, #tpu.memory_space<vmem>>) target_semaphore(%run_scoped3A : memref<!tpu.dma_semaphore, #tpu.memory_space<semaphore_mem>>)
      tpu.wait_dma2 semaphore(%run_scoped3A : memref<!tpu.dma_semaphore, #tpu.memory_space<semaphore_mem>>) src(%arg4 : memref<80x80xf32, #tpu.memory_space<hbm>>) dst(%arg7 : memref<80x80xf32, #tpu.memory_space<vmem>>)
      tpu.yield
    }) : () -> ()
    %add3A_3 = arith.constant 0 : i32
    %add3A_4 = arith.addi %mul3A_2, %add3A_3 : i32
    "tpu.region"() ({
      %run_scoped3A = tpu.sem_alloc : memref<!tpu.dma_semaphore, #tpu.memory_space<semaphore_mem>>
      %dma_start3A = arith.constant 0 : i32
      %dma_start3A_41 = tpu.memref_slice %arg8[%add3A_4, %dma_start3A] : memref<10240x80xf32, #tpu.memory_space<vmem_shared>> -> memref<80x80xf32, #tpu.memory_space<vmem_shared>>
      %dma_start3A_42 = arith.constant 0 : i32
      %dma_start3A_43 = tpu.memref_slice %arg8[%add3A_4, %dma_start3A_42] : memref<10240x80xf32, #tpu.memory_space<vmem_shared>> -> memref<80x80xf32, #tpu.memory_space<vmem_shared>>
      tpu.enqueue_dma source(%arg7 : memref<80x80xf32, #tpu.memory_space<vmem>>) target(%dma_start3A_43 : memref<80x80xf32, #tpu.memory_space<vmem_shared>>) target_semaphore(%run_scoped3A : memref<!tpu.dma_semaphore, #tpu.memory_space<semaphore_mem>>)
      %dma_wait3A = arith.constant 0 : i32
      %dma_wait3A_44 = tpu.memref_slice %arg8[%add3A_4, %dma_wait3A] : memref<10240x80xf32, #tpu.memory_space<vmem_shared>> -> memref<80x80xf32, #tpu.memory_space<vmem_shared>>
      %dma_wait3A_45 = arith.constant 0 : i32
      %dma_wait3A_46 = tpu.memref_slice %arg8[%add3A_4, %dma_wait3A_45] : memref<10240x80xf32, #tpu.memory_space<vmem_shared>> -> memref<80x80xf32, #tpu.memory_space<vmem_shared>>
      tpu.wait_dma2 semaphore(%run_scoped3A : memref<!tpu.dma_semaphore, #tpu.memory_space<semaphore_mem>>) src(%arg7 : memref<80x80xf32, #tpu.memory_space<vmem>>) dst(%dma_wait3A_46 : memref<80x80xf32, #tpu.memory_space<vmem_shared>>)
      tpu.yield
    }) : () -> ()
    %add3A_5 = arith.constant 80 : i32
    %add3A_6 = arith.addi %mul3A_2, %add3A_5 : i32
    "tpu.region"() ({
      %run_scoped3A = tpu.sem_alloc : memref<!tpu.dma_semaphore, #tpu.memory_space<semaphore_mem>>
      %dma_start3A = arith.constant 0 : i32
      %dma_start3A_41 = tpu.memref_slice %arg8[%add3A_6, %dma_start3A] : memref<10240x80xf32, #tpu.memory_space<vmem_shared>> -> memref<80x80xf32, #tpu.memory_space<vmem_shared>>
      %dma_start3A_42 = arith.constant 0 : i32
      %dma_start3A_43 = tpu.memref_slice %arg8[%add3A_6, %dma_start3A_42] : memref<10240x80xf32, #tpu.memory_space<vmem_shared>> -> memref<80x80xf32, #tpu.memory_space<vmem_shared>>
      tpu.enqueue_dma source(%arg7 : memref<80x80xf32, #tpu.memory_space<vmem>>) target(%dma_start3A_43 : memref<80x80xf32, #tpu.memory_space<vmem_shared>>) target_semaphore(%run_scoped3A : memref<!tpu.dma_semaphore, #tpu.memory_space<semaphore_mem>>)
      %dma_wait3A = arith.constant 0 : i32
      %dma_wait3A_44 = tpu.memref_slice %arg8[%add3A_6, %dma_wait3A] : memref<10240x80xf32, #tpu.memory_space<vmem_shared>> -> memref<80x80xf32, #tpu.memory_space<vmem_shared>>
      %dma_wait3A_45 = arith.constant 0 : i32
      %dma_wait3A_46 = tpu.memref_slice %arg8[%add3A_6, %dma_wait3A_45] : memref<10240x80xf32, #tpu.memory_space<vmem_shared>> -> memref<80x80xf32, #tpu.memory_space<vmem_shared>>
      tpu.wait_dma2 semaphore(%run_scoped3A : memref<!tpu.dma_semaphore, #tpu.memory_space<semaphore_mem>>) src(%arg7 : memref<80x80xf32, #tpu.memory_space<vmem>>) dst(%dma_wait3A_46 : memref<80x80xf32, #tpu.memory_space<vmem_shared>>)
      tpu.yield
    }) : () -> ()
    %add3A_7 = arith.constant 160 : i32
    %add3A_8 = arith.addi %mul3A_2, %add3A_7 : i32
    "tpu.region"() ({
      %run_scoped3A = tpu.sem_alloc : memref<!tpu.dma_semaphore, #tpu.memory_space<semaphore_mem>>
      %dma_start3A = arith.constant 0 : i32
      %dma_start3A_41 = tpu.memref_slice %arg8[%add3A_8, %dma_start3A] : memref<10240x80xf32, #tpu.memory_space<vmem_shared>> -> memref<80x80xf32, #tpu.memory_space<vmem_shared>>
      %dma_start3A_42 = arith.constant 0 : i32
      %dma_start3A_43 = tpu.memref_slice %arg8[%add3A_8, %dma_start3A_42] : memref<10240x80xf32, #tpu.memory_space<vmem_shared>> -> memref<80x80xf32, #tpu.memory_space<vmem_shared>>
      tpu.enqueue_dma source(%arg7 : memref<80x80xf32, #tpu.memory_space<vmem>>) target(%dma_start3A_43 : memref<80x80xf32, #tpu.memory_space<vmem_shared>>) target_semaphore(%run_scoped3A : memref<!tpu.dma_semaphore, #tpu.memory_space<semaphore_mem>>)
      %dma_wait3A = arith.constant 0 : i32
      %dma_wait3A_44 = tpu.memref_slice %arg8[%add3A_8, %dma_wait3A] : memref<10240x80xf32, #tpu.memory_space<vmem_shared>> -> memref<80x80xf32, #tpu.memory_space<vmem_shared>>
      %dma_wait3A_45 = arith.constant 0 : i32
      %dma_wait3A_46 = tpu.memref_slice %arg8[%add3A_8, %dma_wait3A_45] : memref<10240x80xf32, #tpu.memory_space<vmem_shared>> -> memref<80x80xf32, #tpu.memory_space<vmem_shared>>
      tpu.wait_dma2 semaphore(%run_scoped3A : memref<!tpu.dma_semaphore, #tpu.memory_space<semaphore_mem>>) src(%arg7 : memref<80x80xf32, #tpu.memory_space<vmem>>) dst(%dma_wait3A_46 : memref<80x80xf32, #tpu.memory_space<vmem_shared>>)
      tpu.yield
    }) : () -> ()
    %add3A_9 = arith.constant 240 : i32
    %add3A_10 = arith.addi %mul3A_2, %add3A_9 : i32
    "tpu.region"() ({
      %run_scoped3A = tpu.sem_alloc : memref<!tpu.dma_semaphore, #tpu.memory_space<semaphore_mem>>
      %dma_start3A = arith.constant 0 : i32
      %dma_start3A_41 = tpu.memref_slice %arg8[%add3A_10, %dma_start3A] : memref<10240x80xf32, #tpu.memory_space<vmem_shared>> -> memref<80x80xf32, #tpu.memory_space<vmem_shared>>
      %dma_start3A_42 = arith.constant 0 : i32
      %dma_start3A_43 = tpu.memref_slice %arg8[%add3A_10, %dma_start3A_42] : memref<10240x80xf32, #tpu.memory_space<vmem_shared>> -> memref<80x80xf32, #tpu.memory_space<vmem_shared>>
      tpu.enqueue_dma source(%arg7 : memref<80x80xf32, #tpu.memory_space<vmem>>) target(%dma_start3A_43 : memref<80x80xf32, #tpu.memory_space<vmem_shared>>) target_semaphore(%run_scoped3A : memref<!tpu.dma_semaphore, #tpu.memory_space<semaphore_mem>>)
      %dma_wait3A = arith.constant 0 : i32
      %dma_wait3A_44 = tpu.memref_slice %arg8[%add3A_10, %dma_wait3A] : memref<10240x80xf32, #tpu.memory_space<vmem_shared>> -> memref<80x80xf32, #tpu.memory_space<vmem_shared>>
      %dma_wait3A_45 = arith.constant 0 : i32
      %dma_wait3A_46 = tpu.memref_slice %arg8[%add3A_10, %dma_wait3A_45] : memref<10240x80xf32, #tpu.memory_space<vmem_shared>> -> memref<80x80xf32, #tpu.memory_space<vmem_shared>>
      tpu.wait_dma2 semaphore(%run_scoped3A : memref<!tpu.dma_semaphore, #tpu.memory_space<semaphore_mem>>) src(%arg7 : memref<80x80xf32, #tpu.memory_space<vmem>>) dst(%dma_wait3A_46 : memref<80x80xf32, #tpu.memory_space<vmem_shared>>)
      tpu.yield
    }) : () -> ()
    %add3A_11 = arith.constant 320 : i32
    %add3A_12 = arith.addi %mul3A_2, %add3A_11 : i32
    "tpu.region"() ({
      %run_scoped3A = tpu.sem_alloc : memref<!tpu.dma_semaphore, #tpu.memory_space<semaphore_mem>>
      %dma_start3A = arith.constant 0 : i32
      %dma_start3A_41 = tpu.memref_slice %arg8[%add3A_12, %dma_start3A] : memref<10240x80xf32, #tpu.memory_space<vmem_shared>> -> memref<80x80xf32, #tpu.memory_space<vmem_shared>>
      %dma_start3A_42 = arith.constant 0 : i32
      %dma_start3A_43 = tpu.memref_slice %arg8[%add3A_12, %dma_start3A_42] : memref<10240x80xf32, #tpu.memory_space<vmem_shared>> -> memref<80x80xf32, #tpu.memory_space<vmem_shared>>
      tpu.enqueue_dma source(%arg7 : memref<80x80xf32, #tpu.memory_space<vmem>>) target(%dma_start3A_43 : memref<80x80xf32, #tpu.memory_space<vmem_shared>>) target_semaphore(%run_scoped3A : memref<!tpu.dma_semaphore, #tpu.memory_space<semaphore_mem>>)
      %dma_wait3A = arith.constant 0 : i32
      %dma_wait3A_44 = tpu.memref_slice %arg8[%add3A_12, %dma_wait3A] : memref<10240x80xf32, #tpu.memory_space<vmem_shared>> -> memref<80x80xf32, #tpu.memory_space<vmem_shared>>
      %dma_wait3A_45 = arith.constant 0 : i32
      %dma_wait3A_46 = tpu.memref_slice %arg8[%add3A_12, %dma_wait3A_45] : memref<10240x80xf32, #tpu.memory_space<vmem_shared>> -> memref<80x80xf32, #tpu.memory_space<vmem_shared>>
      tpu.wait_dma2 semaphore(%run_scoped3A : memref<!tpu.dma_semaphore, #tpu.memory_space<semaphore_mem>>) src(%arg7 : memref<80x80xf32, #tpu.memory_space<vmem>>) dst(%dma_wait3A_46 : memref<80x80xf32, #tpu.memory_space<vmem_shared>>)
      tpu.yield
    }) : () -> ()
    %add3A_13 = arith.constant 400 : i32
    %add3A_14 = arith.addi %mul3A_2, %add3A_13 : i32
    "tpu.region"() ({
      %run_scoped3A = tpu.sem_alloc : memref<!tpu.dma_semaphore, #tpu.memory_space<semaphore_mem>>
      %dma_start3A = arith.constant 0 : i32
      %dma_start3A_41 = tpu.memref_slice %arg8[%add3A_14, %dma_start3A] : memref<10240x80xf32, #tpu.memory_space<vmem_shared>> -> memref<80x80xf32, #tpu.memory_space<vmem_shared>>
      %dma_start3A_42 = arith.constant 0 : i32
      %dma_start3A_43 = tpu.memref_slice %arg8[%add3A_14, %dma_start3A_42] : memref<10240x80xf32, #tpu.memory_space<vmem_shared>> -> memref<80x80xf32, #tpu.memory_space<vmem_shared>>
      tpu.enqueue_dma source(%arg7 : memref<80x80xf32, #tpu.memory_space<vmem>>) target(%dma_start3A_43 : memref<80x80xf32, #tpu.memory_space<vmem_shared>>) target_semaphore(%run_scoped3A : memref<!tpu.dma_semaphore, #tpu.memory_space<semaphore_mem>>)
      %dma_wait3A = arith.constant 0 : i32
      %dma_wait3A_44 = tpu.memref_slice %arg8[%add3A_14, %dma_wait3A] : memref<10240x80xf32, #tpu.memory_space<vmem_shared>> -> memref<80x80xf32, #tpu.memory_space<vmem_shared>>
      %dma_wait3A_45 = arith.constant 0 : i32
      %dma_wait3A_46 = tpu.memref_slice %arg8[%add3A_14, %dma_wait3A_45] : memref<10240x80xf32, #tpu.memory_space<vmem_shared>> -> memref<80x80xf32, #tpu.memory_space<vmem_shared>>
      tpu.wait_dma2 semaphore(%run_scoped3A : memref<!tpu.dma_semaphore, #tpu.memory_space<semaphore_mem>>) src(%arg7 : memref<80x80xf32, #tpu.memory_space<vmem>>) dst(%dma_wait3A_46 : memref<80x80xf32, #tpu.memory_space<vmem_shared>>)
      tpu.yield
    }) : () -> ()
    %add3A_15 = arith.constant 480 : i32
    %add3A_16 = arith.addi %mul3A_2, %add3A_15 : i32
    "tpu.region"() ({
      %run_scoped3A = tpu.sem_alloc : memref<!tpu.dma_semaphore, #tpu.memory_space<semaphore_mem>>
      %dma_start3A = arith.constant 0 : i32
      %dma_start3A_41 = tpu.memref_slice %arg8[%add3A_16, %dma_start3A] : memref<10240x80xf32, #tpu.memory_space<vmem_shared>> -> memref<80x80xf32, #tpu.memory_space<vmem_shared>>
      %dma_start3A_42 = arith.constant 0 : i32
      %dma_start3A_43 = tpu.memref_slice %arg8[%add3A_16, %dma_start3A_42] : memref<10240x80xf32, #tpu.memory_space<vmem_shared>> -> memref<80x80xf32, #tpu.memory_space<vmem_shared>>
      tpu.enqueue_dma source(%arg7 : memref<80x80xf32, #tpu.memory_space<vmem>>) target(%dma_start3A_43 : memref<80x80xf32, #tpu.memory_space<vmem_shared>>) target_semaphore(%run_scoped3A : memref<!tpu.dma_semaphore, #tpu.memory_space<semaphore_mem>>)
      %dma_wait3A = arith.constant 0 : i32
      %dma_wait3A_44 = tpu.memref_slice %arg8[%add3A_16, %dma_wait3A] : memref<10240x80xf32, #tpu.memory_space<vmem_shared>> -> memref<80x80xf32, #tpu.memory_space<vmem_shared>>
      %dma_wait3A_45 = arith.constant 0 : i32
      %dma_wait3A_46 = tpu.memref_slice %arg8[%add3A_16, %dma_wait3A_45] : memref<10240x80xf32, #tpu.memory_space<vmem_shared>> -> memref<80x80xf32, #tpu.memory_space<vmem_shared>>
      tpu.wait_dma2 semaphore(%run_scoped3A : memref<!tpu.dma_semaphore, #tpu.memory_space<semaphore_mem>>) src(%arg7 : memref<80x80xf32, #tpu.memory_space<vmem>>) dst(%dma_wait3A_46 : memref<80x80xf32, #tpu.memory_space<vmem_shared>>)
      tpu.yield
    }) : () -> ()
    %add3A_17 = arith.constant 560 : i32
    %add3A_18 = arith.addi %mul3A_2, %add3A_17 : i32
    "tpu.region"() ({
      %run_scoped3A = tpu.sem_alloc : memref<!tpu.dma_semaphore, #tpu.memory_space<semaphore_mem>>
      %dma_start3A = arith.constant 0 : i32
      %dma_start3A_41 = tpu.memref_slice %arg8[%add3A_18, %dma_start3A] : memref<10240x80xf32, #tpu.memory_space<vmem_shared>> -> memref<80x80xf32, #tpu.memory_space<vmem_shared>>
      %dma_start3A_42 = arith.constant 0 : i32
      %dma_start3A_43 = tpu.memref_slice %arg8[%add3A_18, %dma_start3A_42] : memref<10240x80xf32, #tpu.memory_space<vmem_shared>> -> memref<80x80xf32, #tpu.memory_space<vmem_shared>>
      tpu.enqueue_dma source(%arg7 : memref<80x80xf32, #tpu.memory_space<vmem>>) target(%dma_start3A_43 : memref<80x80xf32, #tpu.memory_space<vmem_shared>>) target_semaphore(%run_scoped3A : memref<!tpu.dma_semaphore, #tpu.memory_space<semaphore_mem>>)
      %dma_wait3A = arith.constant 0 : i32
      %dma_wait3A_44 = tpu.memref_slice %arg8[%add3A_18, %dma_wait3A] : memref<10240x80xf32, #tpu.memory_space<vmem_shared>> -> memref<80x80xf32, #tpu.memory_space<vmem_shared>>
      %dma_wait3A_45 = arith.constant 0 : i32
      %dma_wait3A_46 = tpu.memref_slice %arg8[%add3A_18, %dma_wait3A_45] : memref<10240x80xf32, #tpu.memory_space<vmem_shared>> -> memref<80x80xf32, #tpu.memory_space<vmem_shared>>
      tpu.wait_dma2 semaphore(%run_scoped3A : memref<!tpu.dma_semaphore, #tpu.memory_space<semaphore_mem>>) src(%arg7 : memref<80x80xf32, #tpu.memory_space<vmem>>) dst(%dma_wait3A_46 : memref<80x80xf32, #tpu.memory_space<vmem_shared>>)
      tpu.yield
    }) : () -> ()
    %barrier3A = arith.constant 0 : index
    tpu.barrier barrier_id(%barrier3A)
    %scan3A = arith.constant 0 : i32
    %scan3A_19 = arith.constant 0 : i32
    %scan3A_20 = arith.constant 125 : i32
    %scan3A_21 = arith.addi %scan3A_19, %scan3A_20 : i32
    %scan3A_22 = arith.constant 1 : i32
    scf.for %scan3A_41 = %scan3A_19 to %scan3A_21 step %scan3A_22  : i32 {
      %mul3A_42 = arith.constant 10000 : i32
      %mul3A_43 = arith.muli %add3A, %mul3A_42 : i32
      %mul3A_44 = arith.constant 80 : i32
      %mul3A_45 = arith.muli %scan3A_41, %mul3A_44 : i32
      %add3A_46 = arith.addi %mul3A_43, %mul3A_45 : i32
      %mul3A_47 = arith.constant 125 : i32
      %mul3A_48 = arith.muli %add3A, %mul3A_47 : i32
      %add3A_49 = arith.addi %mul3A_48, %scan3A_41 : i32
      "tpu.region"() ({
        %run_scoped3A = tpu.sem_alloc : memref<!tpu.dma_semaphore, #tpu.memory_space<semaphore_mem>>
        %dma_start3A = arith.constant 0 : i32
        %dma_start3A_50 = tpu.memref_slice %arg3[%add3A_49, %dma_start3A] : memref<4000x80xi32, #tpu.memory_space<hbm>> -> memref<1x80xi32, #tpu.memory_space<hbm>>
        %dma_start3A_51 = tpu.memref_squeeze %dma_start3A_50 : memref<1x80xi32, #tpu.memory_space<hbm>> -> memref<80xi32, #tpu.memory_space<hbm>>
        %dma_start3A_52 = arith.constant 0 : i32
        %dma_start3A_53 = tpu.memref_slice %arg3[%add3A_49, %dma_start3A_52] : memref<4000x80xi32, #tpu.memory_space<hbm>> -> memref<1x80xi32, #tpu.memory_space<hbm>>
        %dma_start3A_54 = tpu.memref_squeeze %dma_start3A_53 : memref<1x80xi32, #tpu.memory_space<hbm>> -> memref<80xi32, #tpu.memory_space<hbm>>
        tpu.enqueue_dma source(%dma_start3A_54 : memref<80xi32, #tpu.memory_space<hbm>>) target(%arg6 : memref<80xi32, #tpu.memory_space<vmem>>) target_semaphore(%run_scoped3A : memref<!tpu.dma_semaphore, #tpu.memory_space<semaphore_mem>>)
        %dma_wait3A = arith.constant 0 : i32
        %dma_wait3A_55 = tpu.memref_slice %arg3[%add3A_49, %dma_wait3A] : memref<4000x80xi32, #tpu.memory_space<hbm>> -> memref<1x80xi32, #tpu.memory_space<hbm>>
        %dma_wait3A_56 = tpu.memref_squeeze %dma_wait3A_55 : memref<1x80xi32, #tpu.memory_space<hbm>> -> memref<80xi32, #tpu.memory_space<hbm>>
        %dma_wait3A_57 = arith.constant 0 : i32
        %dma_wait3A_58 = tpu.memref_slice %arg3[%add3A_49, %dma_wait3A_57] : memref<4000x80xi32, #tpu.memory_space<hbm>> -> memref<1x80xi32, #tpu.memory_space<hbm>>
        %dma_wait3A_59 = tpu.memref_squeeze %dma_wait3A_58 : memref<1x80xi32, #tpu.memory_space<hbm>> -> memref<80xi32, #tpu.memory_space<hbm>>
        tpu.wait_dma2 semaphore(%run_scoped3A : memref<!tpu.dma_semaphore, #tpu.memory_space<semaphore_mem>>) src(%dma_wait3A_59 : memref<80xi32, #tpu.memory_space<hbm>>) dst(%arg6 : memref<80xi32, #tpu.memory_space<vmem>>)
        tpu.yield
      }) : () -> ()
      "tpu.region"() ({
        %run_scoped3A = tpu.sem_alloc : memref<!tpu.dma_semaphore, #tpu.memory_space<semaphore_mem>>
        %dma_start3A = arith.constant 0 : i32
        %dma_start3A_50 = tpu.memref_slice %arg2[%add3A_46, %dma_start3A] : memref<320000x80xf32, #tpu.memory_space<hbm>> -> memref<80x80xf32, #tpu.memory_space<hbm>>
        %dma_start3A_51 = arith.constant 0 : i32
        %dma_start3A_52 = tpu.memref_slice %arg2[%add3A_46, %dma_start3A_51] : memref<320000x80xf32, #tpu.memory_space<hbm>> -> memref<80x80xf32, #tpu.memory_space<hbm>>
        tpu.enqueue_dma source(%dma_start3A_52 : memref<80x80xf32, #tpu.memory_space<hbm>>) target(%arg7 : memref<80x80xf32, #tpu.memory_space<vmem>>) target_semaphore(%run_scoped3A : memref<!tpu.dma_semaphore, #tpu.memory_space<semaphore_mem>>)
        %dma_wait3A = arith.constant 0 : i32
        %dma_wait3A_53 = tpu.memref_slice %arg2[%add3A_46, %dma_wait3A] : memref<320000x80xf32, #tpu.memory_space<hbm>> -> memref<80x80xf32, #tpu.memory_space<hbm>>
        %dma_wait3A_54 = arith.constant 0 : i32
        %dma_wait3A_55 = tpu.memref_slice %arg2[%add3A_46, %dma_wait3A_54] : memref<320000x80xf32, #tpu.memory_space<hbm>> -> memref<80x80xf32, #tpu.memory_space<hbm>>
        tpu.wait_dma2 semaphore(%run_scoped3A : memref<!tpu.dma_semaphore, #tpu.memory_space<semaphore_mem>>) src(%dma_wait3A_55 : memref<80x80xf32, #tpu.memory_space<hbm>>) dst(%arg7 : memref<80x80xf32, #tpu.memory_space<vmem>>)
        tpu.yield
      }) : () -> ()
      "tpu.region"() ({
        %run_scoped3A = tpu.sem_alloc : memref<!tpu.dma_semaphore, #tpu.memory_space<semaphore_mem>>
        %dma_start3A = arith.constant 0 : i32
        %dma_start3A_50 = arith.constant 0 : i32
        %dma_start3A_51 = tpu.memref_slice %arg8[%dma_start3A, %dma_start3A_50] : memref<10240x80xf32, #tpu.memory_space<vmem_shared>> -> memref<10240x80xf32, #tpu.memory_space<vmem_shared>>
        tpu.enqueue_indirect_dma source(%arg7 : memref<80x80xf32, #tpu.memory_space<vmem>>) target(%dma_start3A_51 : memref<10240x80xf32, #tpu.memory_space<vmem_shared>>) offsets(%arg6 : memref<80xi32, #tpu.memory_space<vmem>>) semaphore(%run_scoped3A : memref<!tpu.dma_semaphore, #tpu.memory_space<semaphore_mem>>) {add = true}
        %dma_wait3A = arith.constant 0 : i32
        %dma_wait3A_52 = arith.constant 0 : i32
        %dma_wait3A_53 = tpu.memref_slice %arg8[%dma_wait3A, %dma_wait3A_52] : memref<10240x80xf32, #tpu.memory_space<vmem_shared>> -> memref<10240x80xf32, #tpu.memory_space<vmem_shared>>
        tpu.wait_indirect_dma semaphore(%run_scoped3A : memref<!tpu.dma_semaphore, #tpu.memory_space<semaphore_mem>>) src(%arg7 : memref<80x80xf32, #tpu.memory_space<vmem>>) dst(%dma_wait3A_53 : memref<10240x80xf32, #tpu.memory_space<vmem_shared>>)
        tpu.yield
      }) : () -> ()
    }
    %scan3A_23 = arith.constant 125 : i32
    %barrier3A_24 = arith.constant 0 : index
    tpu.barrier barrier_id(%barrier3A_24)
    %add3A_25 = arith.constant 0 : i32
    %add3A_26 = arith.addi %mul3A_2, %add3A_25 : i32
    "tpu.region"() ({
      %run_scoped3A = tpu.sem_alloc : memref<!tpu.dma_semaphore, #tpu.memory_space<semaphore_mem>>
      %dma_start3A = arith.constant 0 : i32
      %dma_start3A_41 = tpu.memref_slice %arg8[%add3A_26, %dma_start3A] : memref<10240x80xf32, #tpu.memory_space<vmem_shared>> -> memref<80x80xf32, #tpu.memory_space<vmem_shared>>
      %dma_start3A_42 = arith.constant 0 : i32
      %dma_start3A_43 = tpu.memref_slice %arg8[%add3A_26, %dma_start3A_42] : memref<10240x80xf32, #tpu.memory_space<vmem_shared>> -> memref<80x80xf32, #tpu.memory_space<vmem_shared>>
      tpu.enqueue_dma source(%dma_start3A_43 : memref<80x80xf32, #tpu.memory_space<vmem_shared>>) target(%arg7 : memref<80x80xf32, #tpu.memory_space<vmem>>) target_semaphore(%run_scoped3A : memref<!tpu.dma_semaphore, #tpu.memory_space<semaphore_mem>>)
      %dma_wait3A = arith.constant 0 : i32
      %dma_wait3A_44 = tpu.memref_slice %arg8[%add3A_26, %dma_wait3A] : memref<10240x80xf32, #tpu.memory_space<vmem_shared>> -> memref<80x80xf32, #tpu.memory_space<vmem_shared>>
      %dma_wait3A_45 = arith.constant 0 : i32
      %dma_wait3A_46 = tpu.memref_slice %arg8[%add3A_26, %dma_wait3A_45] : memref<10240x80xf32, #tpu.memory_space<vmem_shared>> -> memref<80x80xf32, #tpu.memory_space<vmem_shared>>
      tpu.wait_dma2 semaphore(%run_scoped3A : memref<!tpu.dma_semaphore, #tpu.memory_space<semaphore_mem>>) src(%dma_wait3A_46 : memref<80x80xf32, #tpu.memory_space<vmem_shared>>) dst(%arg7 : memref<80x80xf32, #tpu.memory_space<vmem>>)
      tpu.yield
    }) : () -> ()
    "tpu.region"() ({
      %run_scoped3A = tpu.sem_alloc : memref<!tpu.dma_semaphore, #tpu.memory_space<semaphore_mem>>
      %dma_start3A = arith.constant 0 : i32
      %dma_start3A_41 = tpu.memref_slice %arg5[%arg0, %add3A_26, %dma_start3A] : memref<2x10240x80xf32, #tpu.memory_space<hbm>> -> memref<1x80x80xf32, #tpu.memory_space<hbm>>
      %dma_start3A_42 = tpu.memref_squeeze %dma_start3A_41 : memref<1x80x80xf32, #tpu.memory_space<hbm>> -> memref<80x80xf32, #tpu.memory_space<hbm>>
      %dma_start3A_43 = arith.constant 0 : i32
      %dma_start3A_44 = tpu.memref_slice %arg5[%arg0, %add3A_26, %dma_start3A_43] : memref<2x10240x80xf32, #tpu.memory_space<hbm>> -> memref<1x80x80xf32, #tpu.memory_space<hbm>>
      %dma_start3A_45 = tpu.memref_squeeze %dma_start3A_44 : memref<1x80x80xf32, #tpu.memory_space<hbm>> -> memref<80x80xf32, #tpu.memory_space<hbm>>
      tpu.enqueue_dma source(%arg7 : memref<80x80xf32, #tpu.memory_space<vmem>>) target(%dma_start3A_45 : memref<80x80xf32, #tpu.memory_space<hbm>>) target_semaphore(%run_scoped3A : memref<!tpu.dma_semaphore, #tpu.memory_space<semaphore_mem>>)
      %dma_wait3A = arith.constant 0 : i32
      %dma_wait3A_46 = tpu.memref_slice %arg5[%arg0, %add3A_26, %dma_wait3A] : memref<2x10240x80xf32, #tpu.memory_space<hbm>> -> memref<1x80x80xf32, #tpu.memory_space<hbm>>
      %dma_wait3A_47 = tpu.memref_squeeze %dma_wait3A_46 : memref<1x80x80xf32, #tpu.memory_space<hbm>> -> memref<80x80xf32, #tpu.memory_space<hbm>>
      %dma_wait3A_48 = arith.constant 0 : i32
      %dma_wait3A_49 = tpu.memref_slice %arg5[%arg0, %add3A_26, %dma_wait3A_48] : memref<2x10240x80xf32, #tpu.memory_space<hbm>> -> memref<1x80x80xf32, #tpu.memory_space<hbm>>
      %dma_wait3A_50 = tpu.memref_squeeze %dma_wait3A_49 : memref<1x80x80xf32, #tpu.memory_space<hbm>> -> memref<80x80xf32, #tpu.memory_space<hbm>>
      tpu.wait_dma2 semaphore(%run_scoped3A : memref<!tpu.dma_semaphore, #tpu.memory_space<semaphore_mem>>) src(%arg7 : memref<80x80xf32, #tpu.memory_space<vmem>>) dst(%dma_wait3A_50 : memref<80x80xf32, #tpu.memory_space<hbm>>)
      tpu.yield
    }) : () -> ()
    %add3A_27 = arith.constant 80 : i32
    %add3A_28 = arith.addi %mul3A_2, %add3A_27 : i32
    "tpu.region"() ({
      %run_scoped3A = tpu.sem_alloc : memref<!tpu.dma_semaphore, #tpu.memory_space<semaphore_mem>>
      %dma_start3A = arith.constant 0 : i32
      %dma_start3A_41 = tpu.memref_slice %arg8[%add3A_28, %dma_start3A] : memref<10240x80xf32, #tpu.memory_space<vmem_shared>> -> memref<80x80xf32, #tpu.memory_space<vmem_shared>>
      %dma_start3A_42 = arith.constant 0 : i32
      %dma_start3A_43 = tpu.memref_slice %arg8[%add3A_28, %dma_start3A_42] : memref<10240x80xf32, #tpu.memory_space<vmem_shared>> -> memref<80x80xf32, #tpu.memory_space<vmem_shared>>
      tpu.enqueue_dma source(%dma_start3A_43 : memref<80x80xf32, #tpu.memory_space<vmem_shared>>) target(%arg7 : memref<80x80xf32, #tpu.memory_space<vmem>>) target_semaphore(%run_scoped3A : memref<!tpu.dma_semaphore, #tpu.memory_space<semaphore_mem>>)
      %dma_wait3A = arith.constant 0 : i32
      %dma_wait3A_44 = tpu.memref_slice %arg8[%add3A_28, %dma_wait3A] : memref<10240x80xf32, #tpu.memory_space<vmem_shared>> -> memref<80x80xf32, #tpu.memory_space<vmem_shared>>
      %dma_wait3A_45 = arith.constant 0 : i32
      %dma_wait3A_46 = tpu.memref_slice %arg8[%add3A_28, %dma_wait3A_45] : memref<10240x80xf32, #tpu.memory_space<vmem_shared>> -> memref<80x80xf32, #tpu.memory_space<vmem_shared>>
      tpu.wait_dma2 semaphore(%run_scoped3A : memref<!tpu.dma_semaphore, #tpu.memory_space<semaphore_mem>>) src(%dma_wait3A_46 : memref<80x80xf32, #tpu.memory_space<vmem_shared>>) dst(%arg7 : memref<80x80xf32, #tpu.memory_space<vmem>>)
      tpu.yield
    }) : () -> ()
    "tpu.region"() ({
      %run_scoped3A = tpu.sem_alloc : memref<!tpu.dma_semaphore, #tpu.memory_space<semaphore_mem>>
      %dma_start3A = arith.constant 0 : i32
      %dma_start3A_41 = tpu.memref_slice %arg5[%arg0, %add3A_28, %dma_start3A] : memref<2x10240x80xf32, #tpu.memory_space<hbm>> -> memref<1x80x80xf32, #tpu.memory_space<hbm>>
      %dma_start3A_42 = tpu.memref_squeeze %dma_start3A_41 : memref<1x80x80xf32, #tpu.memory_space<hbm>> -> memref<80x80xf32, #tpu.memory_space<hbm>>
      %dma_start3A_43 = arith.constant 0 : i32
      %dma_start3A_44 = tpu.memref_slice %arg5[%arg0, %add3A_28, %dma_start3A_43] : memref<2x10240x80xf32, #tpu.memory_space<hbm>> -> memref<1x80x80xf32, #tpu.memory_space<hbm>>
      %dma_start3A_45 = tpu.memref_squeeze %dma_start3A_44 : memref<1x80x80xf32, #tpu.memory_space<hbm>> -> memref<80x80xf32, #tpu.memory_space<hbm>>
      tpu.enqueue_dma source(%arg7 : memref<80x80xf32, #tpu.memory_space<vmem>>) target(%dma_start3A_45 : memref<80x80xf32, #tpu.memory_space<hbm>>) target_semaphore(%run_scoped3A : memref<!tpu.dma_semaphore, #tpu.memory_space<semaphore_mem>>)
      %dma_wait3A = arith.constant 0 : i32
      %dma_wait3A_46 = tpu.memref_slice %arg5[%arg0, %add3A_28, %dma_wait3A] : memref<2x10240x80xf32, #tpu.memory_space<hbm>> -> memref<1x80x80xf32, #tpu.memory_space<hbm>>
      %dma_wait3A_47 = tpu.memref_squeeze %dma_wait3A_46 : memref<1x80x80xf32, #tpu.memory_space<hbm>> -> memref<80x80xf32, #tpu.memory_space<hbm>>
      %dma_wait3A_48 = arith.constant 0 : i32
      %dma_wait3A_49 = tpu.memref_slice %arg5[%arg0, %add3A_28, %dma_wait3A_48] : memref<2x10240x80xf32, #tpu.memory_space<hbm>> -> memref<1x80x80xf32, #tpu.memory_space<hbm>>
      %dma_wait3A_50 = tpu.memref_squeeze %dma_wait3A_49 : memref<1x80x80xf32, #tpu.memory_space<hbm>> -> memref<80x80xf32, #tpu.memory_space<hbm>>
      tpu.wait_dma2 semaphore(%run_scoped3A : memref<!tpu.dma_semaphore, #tpu.memory_space<semaphore_mem>>) src(%arg7 : memref<80x80xf32, #tpu.memory_space<vmem>>) dst(%dma_wait3A_50 : memref<80x80xf32, #tpu.memory_space<hbm>>)
      tpu.yield
    }) : () -> ()
    %add3A_29 = arith.constant 160 : i32
    %add3A_30 = arith.addi %mul3A_2, %add3A_29 : i32
    "tpu.region"() ({
      %run_scoped3A = tpu.sem_alloc : memref<!tpu.dma_semaphore, #tpu.memory_space<semaphore_mem>>
      %dma_start3A = arith.constant 0 : i32
      %dma_start3A_41 = tpu.memref_slice %arg8[%add3A_30, %dma_start3A] : memref<10240x80xf32, #tpu.memory_space<vmem_shared>> -> memref<80x80xf32, #tpu.memory_space<vmem_shared>>
      %dma_start3A_42 = arith.constant 0 : i32
      %dma_start3A_43 = tpu.memref_slice %arg8[%add3A_30, %dma_start3A_42] : memref<10240x80xf32, #tpu.memory_space<vmem_shared>> -> memref<80x80xf32, #tpu.memory_space<vmem_shared>>
      tpu.enqueue_dma source(%dma_start3A_43 : memref<80x80xf32, #tpu.memory_space<vmem_shared>>) target(%arg7 : memref<80x80xf32, #tpu.memory_space<vmem>>) target_semaphore(%run_scoped3A : memref<!tpu.dma_semaphore, #tpu.memory_space<semaphore_mem>>)
      %dma_wait3A = arith.constant 0 : i32
      %dma_wait3A_44 = tpu.memref_slice %arg8[%add3A_30, %dma_wait3A] : memref<10240x80xf32, #tpu.memory_space<vmem_shared>> -> memref<80x80xf32, #tpu.memory_space<vmem_shared>>
      %dma_wait3A_45 = arith.constant 0 : i32
      %dma_wait3A_46 = tpu.memref_slice %arg8[%add3A_30, %dma_wait3A_45] : memref<10240x80xf32, #tpu.memory_space<vmem_shared>> -> memref<80x80xf32, #tpu.memory_space<vmem_shared>>
      tpu.wait_dma2 semaphore(%run_scoped3A : memref<!tpu.dma_semaphore, #tpu.memory_space<semaphore_mem>>) src(%dma_wait3A_46 : memref<80x80xf32, #tpu.memory_space<vmem_shared>>) dst(%arg7 : memref<80x80xf32, #tpu.memory_space<vmem>>)
      tpu.yield
    }) : () -> ()
    "tpu.region"() ({
      %run_scoped3A = tpu.sem_alloc : memref<!tpu.dma_semaphore, #tpu.memory_space<semaphore_mem>>
      %dma_start3A = arith.constant 0 : i32
      %dma_start3A_41 = tpu.memref_slice %arg5[%arg0, %add3A_30, %dma_start3A] : memref<2x10240x80xf32, #tpu.memory_space<hbm>> -> memref<1x80x80xf32, #tpu.memory_space<hbm>>
      %dma_start3A_42 = tpu.memref_squeeze %dma_start3A_41 : memref<1x80x80xf32, #tpu.memory_space<hbm>> -> memref<80x80xf32, #tpu.memory_space<hbm>>
      %dma_start3A_43 = arith.constant 0 : i32
      %dma_start3A_44 = tpu.memref_slice %arg5[%arg0, %add3A_30, %dma_start3A_43] : memref<2x10240x80xf32, #tpu.memory_space<hbm>> -> memref<1x80x80xf32, #tpu.memory_space<hbm>>
      %dma_start3A_45 = tpu.memref_squeeze %dma_start3A_44 : memref<1x80x80xf32, #tpu.memory_space<hbm>> -> memref<80x80xf32, #tpu.memory_space<hbm>>
      tpu.enqueue_dma source(%arg7 : memref<80x80xf32, #tpu.memory_space<vmem>>) target(%dma_start3A_45 : memref<80x80xf32, #tpu.memory_space<hbm>>) target_semaphore(%run_scoped3A : memref<!tpu.dma_semaphore, #tpu.memory_space<semaphore_mem>>)
      %dma_wait3A = arith.constant 0 : i32
      %dma_wait3A_46 = tpu.memref_slice %arg5[%arg0, %add3A_30, %dma_wait3A] : memref<2x10240x80xf32, #tpu.memory_space<hbm>> -> memref<1x80x80xf32, #tpu.memory_space<hbm>>
      %dma_wait3A_47 = tpu.memref_squeeze %dma_wait3A_46 : memref<1x80x80xf32, #tpu.memory_space<hbm>> -> memref<80x80xf32, #tpu.memory_space<hbm>>
      %dma_wait3A_48 = arith.constant 0 : i32
      %dma_wait3A_49 = tpu.memref_slice %arg5[%arg0, %add3A_30, %dma_wait3A_48] : memref<2x10240x80xf32, #tpu.memory_space<hbm>> -> memref<1x80x80xf32, #tpu.memory_space<hbm>>
      %dma_wait3A_50 = tpu.memref_squeeze %dma_wait3A_49 : memref<1x80x80xf32, #tpu.memory_space<hbm>> -> memref<80x80xf32, #tpu.memory_space<hbm>>
      tpu.wait_dma2 semaphore(%run_scoped3A : memref<!tpu.dma_semaphore, #tpu.memory_space<semaphore_mem>>) src(%arg7 : memref<80x80xf32, #tpu.memory_space<vmem>>) dst(%dma_wait3A_50 : memref<80x80xf32, #tpu.memory_space<hbm>>)
      tpu.yield
    }) : () -> ()
    %add3A_31 = arith.constant 240 : i32
    %add3A_32 = arith.addi %mul3A_2, %add3A_31 : i32
    "tpu.region"() ({
      %run_scoped3A = tpu.sem_alloc : memref<!tpu.dma_semaphore, #tpu.memory_space<semaphore_mem>>
      %dma_start3A = arith.constant 0 : i32
      %dma_start3A_41 = tpu.memref_slice %arg8[%add3A_32, %dma_start3A] : memref<10240x80xf32, #tpu.memory_space<vmem_shared>> -> memref<80x80xf32, #tpu.memory_space<vmem_shared>>
      %dma_start3A_42 = arith.constant 0 : i32
      %dma_start3A_43 = tpu.memref_slice %arg8[%add3A_32, %dma_start3A_42] : memref<10240x80xf32, #tpu.memory_space<vmem_shared>> -> memref<80x80xf32, #tpu.memory_space<vmem_shared>>
      tpu.enqueue_dma source(%dma_start3A_43 : memref<80x80xf32, #tpu.memory_space<vmem_shared>>) target(%arg7 : memref<80x80xf32, #tpu.memory_space<vmem>>) target_semaphore(%run_scoped3A : memref<!tpu.dma_semaphore, #tpu.memory_space<semaphore_mem>>)
      %dma_wait3A = arith.constant 0 : i32
      %dma_wait3A_44 = tpu.memref_slice %arg8[%add3A_32, %dma_wait3A] : memref<10240x80xf32, #tpu.memory_space<vmem_shared>> -> memref<80x80xf32, #tpu.memory_space<vmem_shared>>
      %dma_wait3A_45 = arith.constant 0 : i32
      %dma_wait3A_46 = tpu.memref_slice %arg8[%add3A_32, %dma_wait3A_45] : memref<10240x80xf32, #tpu.memory_space<vmem_shared>> -> memref<80x80xf32, #tpu.memory_space<vmem_shared>>
      tpu.wait_dma2 semaphore(%run_scoped3A : memref<!tpu.dma_semaphore, #tpu.memory_space<semaphore_mem>>) src(%dma_wait3A_46 : memref<80x80xf32, #tpu.memory_space<vmem_shared>>) dst(%arg7 : memref<80x80xf32, #tpu.memory_space<vmem>>)
      tpu.yield
    }) : () -> ()
    "tpu.region"() ({
      %run_scoped3A = tpu.sem_alloc : memref<!tpu.dma_semaphore, #tpu.memory_space<semaphore_mem>>
      %dma_start3A = arith.constant 0 : i32
      %dma_start3A_41 = tpu.memref_slice %arg5[%arg0, %add3A_32, %dma_start3A] : memref<2x10240x80xf32, #tpu.memory_space<hbm>> -> memref<1x80x80xf32, #tpu.memory_space<hbm>>
      %dma_start3A_42 = tpu.memref_squeeze %dma_start3A_41 : memref<1x80x80xf32, #tpu.memory_space<hbm>> -> memref<80x80xf32, #tpu.memory_space<hbm>>
      %dma_start3A_43 = arith.constant 0 : i32
      %dma_start3A_44 = tpu.memref_slice %arg5[%arg0, %add3A_32, %dma_start3A_43] : memref<2x10240x80xf32, #tpu.memory_space<hbm>> -> memref<1x80x80xf32, #tpu.memory_space<hbm>>
      %dma_start3A_45 = tpu.memref_squeeze %dma_start3A_44 : memref<1x80x80xf32, #tpu.memory_space<hbm>> -> memref<80x80xf32, #tpu.memory_space<hbm>>
      tpu.enqueue_dma source(%arg7 : memref<80x80xf32, #tpu.memory_space<vmem>>) target(%dma_start3A_45 : memref<80x80xf32, #tpu.memory_space<hbm>>) target_semaphore(%run_scoped3A : memref<!tpu.dma_semaphore, #tpu.memory_space<semaphore_mem>>)
      %dma_wait3A = arith.constant 0 : i32
      %dma_wait3A_46 = tpu.memref_slice %arg5[%arg0, %add3A_32, %dma_wait3A] : memref<2x10240x80xf32, #tpu.memory_space<hbm>> -> memref<1x80x80xf32, #tpu.memory_space<hbm>>
      %dma_wait3A_47 = tpu.memref_squeeze %dma_wait3A_46 : memref<1x80x80xf32, #tpu.memory_space<hbm>> -> memref<80x80xf32, #tpu.memory_space<hbm>>
      %dma_wait3A_48 = arith.constant 0 : i32
      %dma_wait3A_49 = tpu.memref_slice %arg5[%arg0, %add3A_32, %dma_wait3A_48] : memref<2x10240x80xf32, #tpu.memory_space<hbm>> -> memref<1x80x80xf32, #tpu.memory_space<hbm>>
      %dma_wait3A_50 = tpu.memref_squeeze %dma_wait3A_49 : memref<1x80x80xf32, #tpu.memory_space<hbm>> -> memref<80x80xf32, #tpu.memory_space<hbm>>
      tpu.wait_dma2 semaphore(%run_scoped3A : memref<!tpu.dma_semaphore, #tpu.memory_space<semaphore_mem>>) src(%arg7 : memref<80x80xf32, #tpu.memory_space<vmem>>) dst(%dma_wait3A_50 : memref<80x80xf32, #tpu.memory_space<hbm>>)
      tpu.yield
    }) : () -> ()
    %add3A_33 = arith.constant 320 : i32
    %add3A_34 = arith.addi %mul3A_2, %add3A_33 : i32
    "tpu.region"() ({
      %run_scoped3A = tpu.sem_alloc : memref<!tpu.dma_semaphore, #tpu.memory_space<semaphore_mem>>
      %dma_start3A = arith.constant 0 : i32
      %dma_start3A_41 = tpu.memref_slice %arg8[%add3A_34, %dma_start3A] : memref<10240x80xf32, #tpu.memory_space<vmem_shared>> -> memref<80x80xf32, #tpu.memory_space<vmem_shared>>
      %dma_start3A_42 = arith.constant 0 : i32
      %dma_start3A_43 = tpu.memref_slice %arg8[%add3A_34, %dma_start3A_42] : memref<10240x80xf32, #tpu.memory_space<vmem_shared>> -> memref<80x80xf32, #tpu.memory_space<vmem_shared>>
      tpu.enqueue_dma source(%dma_start3A_43 : memref<80x80xf32, #tpu.memory_space<vmem_shared>>) target(%arg7 : memref<80x80xf32, #tpu.memory_space<vmem>>) target_semaphore(%run_scoped3A : memref<!tpu.dma_semaphore, #tpu.memory_space<semaphore_mem>>)
      %dma_wait3A = arith.constant 0 : i32
      %dma_wait3A_44 = tpu.memref_slice %arg8[%add3A_34, %dma_wait3A] : memref<10240x80xf32, #tpu.memory_space<vmem_shared>> -> memref<80x80xf32, #tpu.memory_space<vmem_shared>>
      %dma_wait3A_45 = arith.constant 0 : i32
      %dma_wait3A_46 = tpu.memref_slice %arg8[%add3A_34, %dma_wait3A_45] : memref<10240x80xf32, #tpu.memory_space<vmem_shared>> -> memref<80x80xf32, #tpu.memory_space<vmem_shared>>
      tpu.wait_dma2 semaphore(%run_scoped3A : memref<!tpu.dma_semaphore, #tpu.memory_space<semaphore_mem>>) src(%dma_wait3A_46 : memref<80x80xf32, #tpu.memory_space<vmem_shared>>) dst(%arg7 : memref<80x80xf32, #tpu.memory_space<vmem>>)
      tpu.yield
    }) : () -> ()
    "tpu.region"() ({
      %run_scoped3A = tpu.sem_alloc : memref<!tpu.dma_semaphore, #tpu.memory_space<semaphore_mem>>
      %dma_start3A = arith.constant 0 : i32
      %dma_start3A_41 = tpu.memref_slice %arg5[%arg0, %add3A_34, %dma_start3A] : memref<2x10240x80xf32, #tpu.memory_space<hbm>> -> memref<1x80x80xf32, #tpu.memory_space<hbm>>
      %dma_start3A_42 = tpu.memref_squeeze %dma_start3A_41 : memref<1x80x80xf32, #tpu.memory_space<hbm>> -> memref<80x80xf32, #tpu.memory_space<hbm>>
      %dma_start3A_43 = arith.constant 0 : i32
      %dma_start3A_44 = tpu.memref_slice %arg5[%arg0, %add3A_34, %dma_start3A_43] : memref<2x10240x80xf32, #tpu.memory_space<hbm>> -> memref<1x80x80xf32, #tpu.memory_space<hbm>>
      %dma_start3A_45 = tpu.memref_squeeze %dma_start3A_44 : memref<1x80x80xf32, #tpu.memory_space<hbm>> -> memref<80x80xf32, #tpu.memory_space<hbm>>
      tpu.enqueue_dma source(%arg7 : memref<80x80xf32, #tpu.memory_space<vmem>>) target(%dma_start3A_45 : memref<80x80xf32, #tpu.memory_space<hbm>>) target_semaphore(%run_scoped3A : memref<!tpu.dma_semaphore, #tpu.memory_space<semaphore_mem>>)
      %dma_wait3A = arith.constant 0 : i32
      %dma_wait3A_46 = tpu.memref_slice %arg5[%arg0, %add3A_34, %dma_wait3A] : memref<2x10240x80xf32, #tpu.memory_space<hbm>> -> memref<1x80x80xf32, #tpu.memory_space<hbm>>
      %dma_wait3A_47 = tpu.memref_squeeze %dma_wait3A_46 : memref<1x80x80xf32, #tpu.memory_space<hbm>> -> memref<80x80xf32, #tpu.memory_space<hbm>>
      %dma_wait3A_48 = arith.constant 0 : i32
      %dma_wait3A_49 = tpu.memref_slice %arg5[%arg0, %add3A_34, %dma_wait3A_48] : memref<2x10240x80xf32, #tpu.memory_space<hbm>> -> memref<1x80x80xf32, #tpu.memory_space<hbm>>
      %dma_wait3A_50 = tpu.memref_squeeze %dma_wait3A_49 : memref<1x80x80xf32, #tpu.memory_space<hbm>> -> memref<80x80xf32, #tpu.memory_space<hbm>>
      tpu.wait_dma2 semaphore(%run_scoped3A : memref<!tpu.dma_semaphore, #tpu.memory_space<semaphore_mem>>) src(%arg7 : memref<80x80xf32, #tpu.memory_space<vmem>>) dst(%dma_wait3A_50 : memref<80x80xf32, #tpu.memory_space<hbm>>)
      tpu.yield
    }) : () -> ()
    %add3A_35 = arith.constant 400 : i32
    %add3A_36 = arith.addi %mul3A_2, %add3A_35 : i32
    "tpu.region"() ({
      %run_scoped3A = tpu.sem_alloc : memref<!tpu.dma_semaphore, #tpu.memory_space<semaphore_mem>>
      %dma_start3A = arith.constant 0 : i32
      %dma_start3A_41 = tpu.memref_slice %arg8[%add3A_36, %dma_start3A] : memref<10240x80xf32, #tpu.memory_space<vmem_shared>> -> memref<80x80xf32, #tpu.memory_space<vmem_shared>>
      %dma_start3A_42 = arith.constant 0 : i32
      %dma_start3A_43 = tpu.memref_slice %arg8[%add3A_36, %dma_start3A_42] : memref<10240x80xf32, #tpu.memory_space<vmem_shared>> -> memref<80x80xf32, #tpu.memory_space<vmem_shared>>
      tpu.enqueue_dma source(%dma_start3A_43 : memref<80x80xf32, #tpu.memory_space<vmem_shared>>) target(%arg7 : memref<80x80xf32, #tpu.memory_space<vmem>>) target_semaphore(%run_scoped3A : memref<!tpu.dma_semaphore, #tpu.memory_space<semaphore_mem>>)
      %dma_wait3A = arith.constant 0 : i32
      %dma_wait3A_44 = tpu.memref_slice %arg8[%add3A_36, %dma_wait3A] : memref<10240x80xf32, #tpu.memory_space<vmem_shared>> -> memref<80x80xf32, #tpu.memory_space<vmem_shared>>
      %dma_wait3A_45 = arith.constant 0 : i32
      %dma_wait3A_46 = tpu.memref_slice %arg8[%add3A_36, %dma_wait3A_45] : memref<10240x80xf32, #tpu.memory_space<vmem_shared>> -> memref<80x80xf32, #tpu.memory_space<vmem_shared>>
      tpu.wait_dma2 semaphore(%run_scoped3A : memref<!tpu.dma_semaphore, #tpu.memory_space<semaphore_mem>>) src(%dma_wait3A_46 : memref<80x80xf32, #tpu.memory_space<vmem_shared>>) dst(%arg7 : memref<80x80xf32, #tpu.memory_space<vmem>>)
      tpu.yield
    }) : () -> ()
    "tpu.region"() ({
      %run_scoped3A = tpu.sem_alloc : memref<!tpu.dma_semaphore, #tpu.memory_space<semaphore_mem>>
      %dma_start3A = arith.constant 0 : i32
      %dma_start3A_41 = tpu.memref_slice %arg5[%arg0, %add3A_36, %dma_start3A] : memref<2x10240x80xf32, #tpu.memory_space<hbm>> -> memref<1x80x80xf32, #tpu.memory_space<hbm>>
      %dma_start3A_42 = tpu.memref_squeeze %dma_start3A_41 : memref<1x80x80xf32, #tpu.memory_space<hbm>> -> memref<80x80xf32, #tpu.memory_space<hbm>>
      %dma_start3A_43 = arith.constant 0 : i32
      %dma_start3A_44 = tpu.memref_slice %arg5[%arg0, %add3A_36, %dma_start3A_43] : memref<2x10240x80xf32, #tpu.memory_space<hbm>> -> memref<1x80x80xf32, #tpu.memory_space<hbm>>
      %dma_start3A_45 = tpu.memref_squeeze %dma_start3A_44 : memref<1x80x80xf32, #tpu.memory_space<hbm>> -> memref<80x80xf32, #tpu.memory_space<hbm>>
      tpu.enqueue_dma source(%arg7 : memref<80x80xf32, #tpu.memory_space<vmem>>) target(%dma_start3A_45 : memref<80x80xf32, #tpu.memory_space<hbm>>) target_semaphore(%run_scoped3A : memref<!tpu.dma_semaphore, #tpu.memory_space<semaphore_mem>>)
      %dma_wait3A = arith.constant 0 : i32
      %dma_wait3A_46 = tpu.memref_slice %arg5[%arg0, %add3A_36, %dma_wait3A] : memref<2x10240x80xf32, #tpu.memory_space<hbm>> -> memref<1x80x80xf32, #tpu.memory_space<hbm>>
      %dma_wait3A_47 = tpu.memref_squeeze %dma_wait3A_46 : memref<1x80x80xf32, #tpu.memory_space<hbm>> -> memref<80x80xf32, #tpu.memory_space<hbm>>
      %dma_wait3A_48 = arith.constant 0 : i32
      %dma_wait3A_49 = tpu.memref_slice %arg5[%arg0, %add3A_36, %dma_wait3A_48] : memref<2x10240x80xf32, #tpu.memory_space<hbm>> -> memref<1x80x80xf32, #tpu.memory_space<hbm>>
      %dma_wait3A_50 = tpu.memref_squeeze %dma_wait3A_49 : memref<1x80x80xf32, #tpu.memory_space<hbm>> -> memref<80x80xf32, #tpu.memory_space<hbm>>
      tpu.wait_dma2 semaphore(%run_scoped3A : memref<!tpu.dma_semaphore, #tpu.memory_space<semaphore_mem>>) src(%arg7 : memref<80x80xf32, #tpu.memory_space<vmem>>) dst(%dma_wait3A_50 : memref<80x80xf32, #tpu.memory_space<hbm>>)
      tpu.yield
    }) : () -> ()
    %add3A_37 = arith.constant 480 : i32
    %add3A_38 = arith.addi %mul3A_2, %add3A_37 : i32
    "tpu.region"() ({
      %run_scoped3A = tpu.sem_alloc : memref<!tpu.dma_semaphore, #tpu.memory_space<semaphore_mem>>
      %dma_start3A = arith.constant 0 : i32
      %dma_start3A_41 = tpu.memref_slice %arg8[%add3A_38, %dma_start3A] : memref<10240x80xf32, #tpu.memory_space<vmem_shared>> -> memref<80x80xf32, #tpu.memory_space<vmem_shared>>
      %dma_start3A_42 = arith.constant 0 : i32
      %dma_start3A_43 = tpu.memref_slice %arg8[%add3A_38, %dma_start3A_42] : memref<10240x80xf32, #tpu.memory_space<vmem_shared>> -> memref<80x80xf32, #tpu.memory_space<vmem_shared>>
      tpu.enqueue_dma source(%dma_start3A_43 : memref<80x80xf32, #tpu.memory_space<vmem_shared>>) target(%arg7 : memref<80x80xf32, #tpu.memory_space<vmem>>) target_semaphore(%run_scoped3A : memref<!tpu.dma_semaphore, #tpu.memory_space<semaphore_mem>>)
      %dma_wait3A = arith.constant 0 : i32
      %dma_wait3A_44 = tpu.memref_slice %arg8[%add3A_38, %dma_wait3A] : memref<10240x80xf32, #tpu.memory_space<vmem_shared>> -> memref<80x80xf32, #tpu.memory_space<vmem_shared>>
      %dma_wait3A_45 = arith.constant 0 : i32
      %dma_wait3A_46 = tpu.memref_slice %arg8[%add3A_38, %dma_wait3A_45] : memref<10240x80xf32, #tpu.memory_space<vmem_shared>> -> memref<80x80xf32, #tpu.memory_space<vmem_shared>>
      tpu.wait_dma2 semaphore(%run_scoped3A : memref<!tpu.dma_semaphore, #tpu.memory_space<semaphore_mem>>) src(%dma_wait3A_46 : memref<80x80xf32, #tpu.memory_space<vmem_shared>>) dst(%arg7 : memref<80x80xf32, #tpu.memory_space<vmem>>)
      tpu.yield
    }) : () -> ()
    "tpu.region"() ({
      %run_scoped3A = tpu.sem_alloc : memref<!tpu.dma_semaphore, #tpu.memory_space<semaphore_mem>>
      %dma_start3A = arith.constant 0 : i32
      %dma_start3A_41 = tpu.memref_slice %arg5[%arg0, %add3A_38, %dma_start3A] : memref<2x10240x80xf32, #tpu.memory_space<hbm>> -> memref<1x80x80xf32, #tpu.memory_space<hbm>>
      %dma_start3A_42 = tpu.memref_squeeze %dma_start3A_41 : memref<1x80x80xf32, #tpu.memory_space<hbm>> -> memref<80x80xf32, #tpu.memory_space<hbm>>
      %dma_start3A_43 = arith.constant 0 : i32
      %dma_start3A_44 = tpu.memref_slice %arg5[%arg0, %add3A_38, %dma_start3A_43] : memref<2x10240x80xf32, #tpu.memory_space<hbm>> -> memref<1x80x80xf32, #tpu.memory_space<hbm>>
      %dma_start3A_45 = tpu.memref_squeeze %dma_start3A_44 : memref<1x80x80xf32, #tpu.memory_space<hbm>> -> memref<80x80xf32, #tpu.memory_space<hbm>>
      tpu.enqueue_dma source(%arg7 : memref<80x80xf32, #tpu.memory_space<vmem>>) target(%dma_start3A_45 : memref<80x80xf32, #tpu.memory_space<hbm>>) target_semaphore(%run_scoped3A : memref<!tpu.dma_semaphore, #tpu.memory_space<semaphore_mem>>)
      %dma_wait3A = arith.constant 0 : i32
      %dma_wait3A_46 = tpu.memref_slice %arg5[%arg0, %add3A_38, %dma_wait3A] : memref<2x10240x80xf32, #tpu.memory_space<hbm>> -> memref<1x80x80xf32, #tpu.memory_space<hbm>>
      %dma_wait3A_47 = tpu.memref_squeeze %dma_wait3A_46 : memref<1x80x80xf32, #tpu.memory_space<hbm>> -> memref<80x80xf32, #tpu.memory_space<hbm>>
      %dma_wait3A_48 = arith.constant 0 : i32
      %dma_wait3A_49 = tpu.memref_slice %arg5[%arg0, %add3A_38, %dma_wait3A_48] : memref<2x10240x80xf32, #tpu.memory_space<hbm>> -> memref<1x80x80xf32, #tpu.memory_space<hbm>>
      %dma_wait3A_50 = tpu.memref_squeeze %dma_wait3A_49 : memref<1x80x80xf32, #tpu.memory_space<hbm>> -> memref<80x80xf32, #tpu.memory_space<hbm>>
      tpu.wait_dma2 semaphore(%run_scoped3A : memref<!tpu.dma_semaphore, #tpu.memory_space<semaphore_mem>>) src(%arg7 : memref<80x80xf32, #tpu.memory_space<vmem>>) dst(%dma_wait3A_50 : memref<80x80xf32, #tpu.memory_space<hbm>>)
      tpu.yield
    }) : () -> ()
    %add3A_39 = arith.constant 560 : i32
    %add3A_40 = arith.addi %mul3A_2, %add3A_39 : i32
    "tpu.region"() ({
      %run_scoped3A = tpu.sem_alloc : memref<!tpu.dma_semaphore, #tpu.memory_space<semaphore_mem>>
      %dma_start3A = arith.constant 0 : i32
      %dma_start3A_41 = tpu.memref_slice %arg8[%add3A_40, %dma_start3A] : memref<10240x80xf32, #tpu.memory_space<vmem_shared>> -> memref<80x80xf32, #tpu.memory_space<vmem_shared>>
      %dma_start3A_42 = arith.constant 0 : i32
      %dma_start3A_43 = tpu.memref_slice %arg8[%add3A_40, %dma_start3A_42] : memref<10240x80xf32, #tpu.memory_space<vmem_shared>> -> memref<80x80xf32, #tpu.memory_space<vmem_shared>>
      tpu.enqueue_dma source(%dma_start3A_43 : memref<80x80xf32, #tpu.memory_space<vmem_shared>>) target(%arg7 : memref<80x80xf32, #tpu.memory_space<vmem>>) target_semaphore(%run_scoped3A : memref<!tpu.dma_semaphore, #tpu.memory_space<semaphore_mem>>)
      %dma_wait3A = arith.constant 0 : i32
      %dma_wait3A_44 = tpu.memref_slice %arg8[%add3A_40, %dma_wait3A] : memref<10240x80xf32, #tpu.memory_space<vmem_shared>> -> memref<80x80xf32, #tpu.memory_space<vmem_shared>>
      %dma_wait3A_45 = arith.constant 0 : i32
      %dma_wait3A_46 = tpu.memref_slice %arg8[%add3A_40, %dma_wait3A_45] : memref<10240x80xf32, #tpu.memory_space<vmem_shared>> -> memref<80x80xf32, #tpu.memory_space<vmem_shared>>
      tpu.wait_dma2 semaphore(%run_scoped3A : memref<!tpu.dma_semaphore, #tpu.memory_space<semaphore_mem>>) src(%dma_wait3A_46 : memref<80x80xf32, #tpu.memory_space<vmem_shared>>) dst(%arg7 : memref<80x80xf32, #tpu.memory_space<vmem>>)
      tpu.yield
    }) : () -> ()
    "tpu.region"() ({
      %run_scoped3A = tpu.sem_alloc : memref<!tpu.dma_semaphore, #tpu.memory_space<semaphore_mem>>
      %dma_start3A = arith.constant 0 : i32
      %dma_start3A_41 = tpu.memref_slice %arg5[%arg0, %add3A_40, %dma_start3A] : memref<2x10240x80xf32, #tpu.memory_space<hbm>> -> memref<1x80x80xf32, #tpu.memory_space<hbm>>
      %dma_start3A_42 = tpu.memref_squeeze %dma_start3A_41 : memref<1x80x80xf32, #tpu.memory_space<hbm>> -> memref<80x80xf32, #tpu.memory_space<hbm>>
      %dma_start3A_43 = arith.constant 0 : i32
      %dma_start3A_44 = tpu.memref_slice %arg5[%arg0, %add3A_40, %dma_start3A_43] : memref<2x10240x80xf32, #tpu.memory_space<hbm>> -> memref<1x80x80xf32, #tpu.memory_space<hbm>>
      %dma_start3A_45 = tpu.memref_squeeze %dma_start3A_44 : memref<1x80x80xf32, #tpu.memory_space<hbm>> -> memref<80x80xf32, #tpu.memory_space<hbm>>
      tpu.enqueue_dma source(%arg7 : memref<80x80xf32, #tpu.memory_space<vmem>>) target(%dma_start3A_45 : memref<80x80xf32, #tpu.memory_space<hbm>>) target_semaphore(%run_scoped3A : memref<!tpu.dma_semaphore, #tpu.memory_space<semaphore_mem>>)
      %dma_wait3A = arith.constant 0 : i32
      %dma_wait3A_46 = tpu.memref_slice %arg5[%arg0, %add3A_40, %dma_wait3A] : memref<2x10240x80xf32, #tpu.memory_space<hbm>> -> memref<1x80x80xf32, #tpu.memory_space<hbm>>
      %dma_wait3A_47 = tpu.memref_squeeze %dma_wait3A_46 : memref<1x80x80xf32, #tpu.memory_space<hbm>> -> memref<80x80xf32, #tpu.memory_space<hbm>>
      %dma_wait3A_48 = arith.constant 0 : i32
      %dma_wait3A_49 = tpu.memref_slice %arg5[%arg0, %add3A_40, %dma_wait3A_48] : memref<2x10240x80xf32, #tpu.memory_space<hbm>> -> memref<1x80x80xf32, #tpu.memory_space<hbm>>
      %dma_wait3A_50 = tpu.memref_squeeze %dma_wait3A_49 : memref<1x80x80xf32, #tpu.memory_space<hbm>> -> memref<80x80xf32, #tpu.memory_space<hbm>>
      tpu.wait_dma2 semaphore(%run_scoped3A : memref<!tpu.dma_semaphore, #tpu.memory_space<semaphore_mem>>) src(%arg7 : memref<80x80xf32, #tpu.memory_space<vmem>>) dst(%dma_wait3A_50 : memref<80x80xf32, #tpu.memory_space<hbm>>)
      tpu.yield
    }) : () -> ()
    return
  }
}

module attributes {stable_mosaic.version = 14 : i64} {
  func.func @tc_body(%arg0: i32, %arg1: memref<2x1000x128xf32, #tpu.memory_space<vmem>>, %arg2: memref<2x1000x80xf32, #tpu.memory_space<vmem>>, %arg3: memref<1000x128xf32, #tpu.memory_space<vmem>>, %arg4: memref<128x128xf32, #tpu.memory_space<vmem>>, %arg5: memref<128x128xf32, #tpu.memory_space<vmem>>, %arg6: memref<64x128xf32, #tpu.memory_space<vmem>>, %arg7: memref<1x128xf32, #tpu.memory_space<vmem>>, %arg8: memref<1000x128xf32, #tpu.memory_space<vmem>>) attributes {dimension_semantics = [#tpu.dimension_semantics<arbitrary>], iteration_bounds = array<i64: 10>, scalar_prefetch = 0 : i64, scratch_operands = 0 : i64, tpu.core_type = #tpu.core_type<tc>, window_params = [{transform_indices = @transform_0, window_bounds = array<i64: 2, 1000, 128>}, {transform_indices = @transform_1, window_bounds = array<i64: 2, 1000, 80>}, {transform_indices = @transform_2, window_bounds = array<i64: 1000, 128>}, {pipeline_mode = #tpu.pipeline_mode<synchronous>, transform_indices = @transform_3, window_bounds = array<i64: 128, 128>}, {pipeline_mode = #tpu.pipeline_mode<synchronous>, transform_indices = @transform_4, window_bounds = array<i64: 128, 128>}, {pipeline_mode = #tpu.pipeline_mode<synchronous>, transform_indices = @transform_5, window_bounds = array<i64: 64, 128>}, {pipeline_mode = #tpu.pipeline_mode<synchronous>, transform_indices = @transform_6, window_bounds = array<i64: 1, 128>}, {transform_indices = @transform_7, window_bounds = array<i64: 1000, 128>}]} {
    %get3A = arith.constant 0 : index
    %get3A_0 = arith.constant 0 : index
    %get3A_1 = arith.constant 0 : index
    %get3A_2 = vector.load %arg1[%get3A, %get3A_0, %get3A_1] : memref<2x1000x128xf32, #tpu.memory_space<vmem>>, vector<1x1000x128xf32>
    %get3A_3 = vector.shape_cast %get3A_2 : vector<1x1000x128xf32> to vector<1000x128xf32>
    %get3A_4 = arith.constant 1 : index
    %get3A_5 = arith.constant 0 : index
    %get3A_6 = arith.constant 0 : index
    %get3A_7 = vector.load %arg1[%get3A_4, %get3A_5, %get3A_6] : memref<2x1000x128xf32, #tpu.memory_space<vmem>>, vector<1x1000x128xf32>
    %get3A_8 = vector.shape_cast %get3A_7 : vector<1x1000x128xf32> to vector<1000x128xf32>
    %add3A = arith.addf %get3A_3, %get3A_8 : vector<1000x128xf32>
    %get3A_9 = arith.constant 0 : index
    %get3A_10 = arith.constant 0 : index
    %get3A_11 = arith.constant 0 : index
    %get3A_12 = vector.load %arg2[%get3A_9, %get3A_10, %get3A_11] : memref<2x1000x80xf32, #tpu.memory_space<vmem>>, vector<1x1000x80xf32>
    %get3A_13 = vector.shape_cast %get3A_12 : vector<1x1000x80xf32> to vector<1000x80xf32>
    %get3A_14 = arith.constant 1 : index
    %get3A_15 = arith.constant 0 : index
    %get3A_16 = arith.constant 0 : index
    %get3A_17 = vector.load %arg2[%get3A_14, %get3A_15, %get3A_16] : memref<2x1000x80xf32, #tpu.memory_space<vmem>>, vector<1x1000x80xf32>
    %get3A_18 = vector.shape_cast %get3A_17 : vector<1x1000x80xf32> to vector<1000x80xf32>
    %add3A_19 = arith.addf %get3A_13, %get3A_18 : vector<1000x80xf32>
    %slice3A = vector.extract_strided_slice %add3A_19 {offsets = [0, 0], sizes = [1000, 64], strides = [1, 1]} : vector<1000x80xf32> to vector<1000x64xf32>
    %slice3A_20 = vector.extract_strided_slice %add3A_19 {offsets = [0, 64], sizes = [1000, 1], strides = [1, 1]} : vector<1000x80xf32> to vector<1000x1xf32>
    %get3A_21 = arith.constant 0 : index
    %get3A_22 = arith.constant 0 : index
    %get3A_23 = vector.load %arg5[%get3A_21, %get3A_22] : memref<128x128xf32, #tpu.memory_space<vmem>>, vector<128x128xf32>
    %dot_general3A = arith.constant dense<0.000000e+00> : vector<1000x128xf32>
    %dot_general3A_24 = tpu.matmul %add3A, %get3A_23, %dot_general3A {dimension_numbers = #tpu.dot_dimension_numbers<[1], [0], [0], [1], [0, 0, 1, 1], [], []>, transpose_lhs_hint = false} : vector<1000x128xf32>, vector<128x128xf32>, vector<1000x128xf32> -> vector<1000x128xf32>
    %get3A_25 = arith.constant 0 : index
    %get3A_26 = arith.constant 0 : index
    %get3A_27 = vector.load %arg6[%get3A_25, %get3A_26] : memref<64x128xf32, #tpu.memory_space<vmem>>, vector<64x128xf32>
    %dot_general3A_28 = arith.constant dense<0.000000e+00> : vector<1000x128xf32>
    %dot_general3A_29 = tpu.matmul %slice3A, %get3A_27, %dot_general3A_28 {dimension_numbers = #tpu.dot_dimension_numbers<[1], [0], [0], [1], [0, 0, 1, 1], [], []>, transpose_lhs_hint = false} : vector<1000x64xf32>, vector<64x128xf32>, vector<1000x128xf32> -> vector<1000x128xf32>
    %add3A_30 = arith.addf %dot_general3A_24, %dot_general3A_29 : vector<1000x128xf32>
    %get3A_31 = arith.constant 0 : index
    %get3A_32 = arith.constant 0 : index
    %get3A_33 = vector.load %arg3[%get3A_31, %get3A_32] : memref<1000x128xf32, #tpu.memory_space<vmem>>, vector<1000x128xf32>
    %get3A_34 = arith.constant 0 : index
    %get3A_35 = arith.constant 0 : index
    %get3A_36 = vector.load %arg4[%get3A_34, %get3A_35] : memref<128x128xf32, #tpu.memory_space<vmem>>, vector<128x128xf32>
    %dot_general3A_37 = arith.constant dense<0.000000e+00> : vector<1000x128xf32>
    %dot_general3A_38 = tpu.matmul %get3A_33, %get3A_36, %dot_general3A_37 {dimension_numbers = #tpu.dot_dimension_numbers<[1], [0], [0], [1], [0, 0, 1, 1], [], []>, transpose_lhs_hint = false} : vector<1000x128xf32>, vector<128x128xf32>, vector<1000x128xf32> -> vector<1000x128xf32>
    %get3A_39 = arith.constant 0 : index
    %get3A_40 = arith.constant 0 : index
    %get3A_41 = vector.load %arg7[%get3A_39, %get3A_40] : memref<1x128xf32, #tpu.memory_space<vmem>>, vector<1x128xf32>
    %add3A_42 = vector.broadcast %get3A_41 : vector<1x128xf32> to vector<1000x128xf32>
    %add3A_43 = arith.addf %dot_general3A_38, %add3A_42 : vector<1000x128xf32>
    %mul3A = vector.broadcast %slice3A_20 : vector<1000x1xf32> to vector<1000x128xf32>
    %mul3A_44 = arith.mulf %mul3A, %add3A_43 : vector<1000x128xf32>
    %add3A_45 = arith.addf %add3A_30, %mul3A_44 : vector<1000x128xf32>
    %swap3A = arith.constant 0 : index
    %swap3A_46 = arith.constant 0 : index
    %swap3A_47 = vector.load %arg8[%swap3A, %swap3A_46] : memref<1000x128xf32, #tpu.memory_space<vmem>>, vector<1000x128xf32>
    tpu.vector_store %arg8[%swap3A, %swap3A_46], %add3A_45 {strides = array<i32>} : memref<1000x128xf32, #tpu.memory_space<vmem>>, vector<1000x128xf32>,
    return
  }
  func.func @transform_0(%arg0: i32) -> (i32, i32, i32) {
    %c0_i32 = arith.constant 0 : i32
    %c0_i32_0 = arith.constant 0 : i32
    %c0_i32_1 = arith.constant 0 : i32
    return %c0_i32, %arg0, %c0_i32_0 : i32, i32, i32
  }
  func.func @transform_1(%arg0: i32) -> (i32, i32, i32) {
    %c0_i32 = arith.constant 0 : i32
    %c0_i32_0 = arith.constant 0 : i32
    %c0_i32_1 = arith.constant 0 : i32
    return %c0_i32, %arg0, %c0_i32_0 : i32, i32, i32
  }
  func.func @transform_2(%arg0: i32) -> (i32, i32) {
    %c0_i32 = arith.constant 0 : i32
    %c0_i32_0 = arith.constant 0 : i32
    return %arg0, %c0_i32 : i32, i32
  }
  func.func @transform_3(%arg0: i32) -> (i32, i32) {
    %c0_i32 = arith.constant 0 : i32
    %c0_i32_0 = arith.constant 0 : i32
    %c0_i32_1 = arith.constant 0 : i32
    return %c0_i32, %c0_i32_0 : i32, i32
  }
  func.func @transform_4(%arg0: i32) -> (i32, i32) {
    %c0_i32 = arith.constant 0 : i32
    %c0_i32_0 = arith.constant 0 : i32
    %c0_i32_1 = arith.constant 0 : i32
    return %c0_i32, %c0_i32_0 : i32, i32
  }
  func.func @transform_5(%arg0: i32) -> (i32, i32) {
    %c0_i32 = arith.constant 0 : i32
    %c0_i32_0 = arith.constant 0 : i32
    %c0_i32_1 = arith.constant 0 : i32
    return %c0_i32, %c0_i32_0 : i32, i32
  }
  func.func @transform_6(%arg0: i32) -> (i32, i32) {
    %c0_i32 = arith.constant 0 : i32
    %c0_i32_0 = arith.constant 0 : i32
    %c0_i32_1 = arith.constant 0 : i32
    return %c0_i32, %c0_i32_0 : i32, i32
  }
  func.func @transform_7(%arg0: i32) -> (i32, i32) {
    %c0_i32 = arith.constant 0 : i32
    %c0_i32_0 = arith.constant 0 : i32
    return %arg0, %c0_i32 : i32, i32
  }
}

</mosaic_0001>

<sc_bundles>
// kernel: kernel.5.cloned.1.call-start
scs
__scs_entry_jumppad:
0x0: {  	(pc) =	sbr.rel $0x88, $3  }
0x1: {  	(tag) =	ssettag $0x0;
	lr =	simm.s32 $0x1  }
0x2: {  	[smem:$0x3F9C] =	sst lr;
	_ =	strace $0xD0000000  }
0x3: {  	_ = 	snop  }
0x4: {  	_ = 	snop  }
0x5: {  	_ = 	snop  }
0x6: {  	_ = 	snop  }
0x7: {  	_ = 	snop  }
__scs_overlays_trampoline_lowered:
0x8: {  	[smem:$0x3FAB] =	sst s0  }
0x9: {  	[smem:$0x3FAC] =	sst s1  }
0xa: {  	[smem:$0x3FAD] =	sst s2  }
0xb: {  	[smem:$0x3FAE] =	sst s3  }
0xc: {  	[smem:$0x3FAF] =	sst s4  }
0xd: {  	[smem:$0x3FB0] =	sst s5  }
0xe: {  	[smem:$0x3FB1] =	sst s6  }
0xf: {  	[smem:$0x3FB2] =	sst s7  }
0x10: {  	[smem:$0x3FB3] =	sst s8  }
0x11: {  	[smem:$0x3FB4] =	sst s9;
	s0 =	simm.s32 @!p0 $0x0  }
0x12: {  	s1 =	sld [smem:$0x3F9A];
	s0 =	simm.s32 @p0 $0x1  }
0x13: {  	[smem:$0x3FB5] =	sst s0;
	s0 =	simm.s32 @!p1 $0x0  }
0x14: {  	s2 =	sld [smem:$0x3F99];
	s0 =	simm.s32 @p1 $0x1  }
0x15: {  	[smem:$0x3FB6] =	sst s0;
	s0 =	simm.s32 @!p2 $0x0  }
0x16: {  	s3 =	sld [smem:$0x3FDB];
	s0 =	simm.s32 @p2 $0x1  }
0x17: {  	s4 =	simm.s32 $0x1BF5;
	[smem:$0x3FB8] =	sst s0  }
0x18: {  	s0 =	sld [smem:$0x3F9B];
	_ =	swait.ge [sflag:s4], $0x0  }
0x19: {  	s7 =	sld [smem:$0x3F9C]  }
0x1a: {  	s8 =	sadd.s32 $0xFFFFE003, lr  }
0x1b: {  	s9 =	sadd.s32 $0xFFFFFEF7, lr;
	s5 =	simm.s32 $0xFFFFFFFF;
	p2 =	slt.u32 s8, $0xFFFFF086  }
0x1c: {  	p1 =	slt.u32 s9, $0xF7A;
	s5 =	simm.s32 @!p2 $0x0  }
0x1d: {  	s5 =	simm.s32 @p1 $0x1;
	p0 =	seq.s32 s7, s2  }
0x1e: {  	s7 =	smul.u32 @!p0 $0xF7A, s2;
	p2 =	seq.s32 @!p0 s5, $0x0  }
0x1f: {  	s9 =	smul.u32 $0xF7A, s1;
	s8 =	simm.s32 @!p0 $0x1BF5;
	p2 =	por !p2, p0  }
0x20: {  	[sflag:s8] =	ssyncset.s32 @!p0 $0xFFFFF086;
	s6 =	sadd.s32 @!p0 s3, s7;
	s7 =	simm.s32 @!p0 $0x108  }
0x21: {  	s3 =	sadd.s32 s3, s9;
	s6 =	sadd.s32 @!p0 $0x88, s6;
	s7 =	simm.s32 @p2 $0x1082  }
0x22: {  	[simem:s7], [sflag:s8] =	dma.local @!p0 [hbm:s6], $0xF7A  }
0x23: {  	s9 =	sor.u32 $0xD0000000, s2;
	s6 =	simm.s32 $0x108;
	_ =	swait.ge @!p0 [sflag:s8], $0x0  }
0x24: {  	s3 =	sadd.s32 $0x88, s3;
	s6 =	simm.s32 @!p1 $0x1082;
	[sflag:s4] =	ssyncset.s32 $0xFFFFF086  }
0x25: {  	[simem:s6], [sflag:s4] =	dma.local [hbm:s3], $0xF7A  }
0x26: {  	[smem:$0x3F9C] =	sst s1;
	(tag) =	ssettag s2;
	_ =	strace s9  }
0x27: {  	s1 =	sld [smem:$0x3FAC]  }
0x28: {  	s2 =	sld [smem:$0x3FAD]  }
0x29: {  	s4 =	sld [smem:$0x3FAF]  }
0x2a: {  	p0 =	seq.s32 s5, $0x0;
	s5 =	sld [smem:$0x3FB0]  }
0x2b: {  	s6 =	sld [smem:$0x3FB1]  }
0x2c: {  	s7 =	sld [smem:$0x3FB2]  }
0x2d: {  	s3 =	simm.s32 $0x108;
	s8 =	sld [smem:$0x3FB3]  }
0x2e: {  	s3 =	simm.s32 @!p0 $0x1082;
	s9 =	sld [smem:$0x3FB4]  }
0x2f: {  	lr =	sadd.s32 s0, s3;
	s0 =	sld [smem:$0x3FAB]  }
0x30: {  	s3 =	sld [smem:$0x3FAE]  }
0x31: {  	[smem:$0x3FB7] =	sst s10  }
0x32: {  	s10 =	sld [smem:$0x3FB5];
	_ =	sdelay $0x3  }
0x33: {  	p0 =	seq.s32 s10, $0x1;
	s10 =	sld [smem:$0x3FB7];
	_ =	sdelay $0x3  }
0x34: {  	[smem:$0x3FB7] =	sst s10  }
0x35: {  	s10 =	sld [smem:$0x3FB6];
	_ =	sdelay $0x3  }
0x36: {  	p1 =	seq.s32 s10, $0x1;
	s10 =	sld [smem:$0x3FB7];
	_ =	sdelay $0x3  }
0x37: {  	[smem:$0x3FB7] =	sst s10  }
0x38: {  	s10 =	sld [smem:$0x3FB8]  }
0x39: {  	_ = 	snop;
	(pc) =	sbr.ind lr, $3  }
0x3a: {  	_ = 	snop  }
0x3b: {  	_ = 	snop  }
0x3c: {  	p2 =	seq.s32 s10, $0x1;
	s10 =	sld [smem:$0x3FB7]  }
0x3d: {  	_ =	shalt  }
0x3e: {  	_ =	shalt  }
0x3f: {  	_ =	shalt  }
0x40: {  	_ =	shalt  }
0x41: {  	_ =	shalt  }
0x42: {  	_ =	shalt  }
0x43: {  	_ =	shalt  }
0x44: {  	_ =	shalt  }
0x45: {  	_ =	shalt  }
0x46: {  	_ =	shalt  }
0x47: {  	_ =	shalt  }
0x48: {  	_ =	shalt  }
0x49: {  	_ =	shalt  }
0x4a: {  	_ =	shalt  }
0x4b: {  	_ =	shalt  }
0x4c: {  	_ =	shalt  }
0x4d: {  	_ =	shalt  }
0x4e: {  	_ =	shalt  }
0x4f: {  	_ =	shalt  }
0x50: {  	_ =	shalt  }
0x51: {  	_ =	shalt  }
0x52: {  	_ =	shalt  }
0x53: {  	_ =	shalt  }
0x54: {  	_ =	shalt  }
0x55: {  	_ =	shalt  }
0x56: {  	_ =	shalt  }
0x57: {  	_ =	shalt  }
0x58: {  	_ =	shalt  }
0x59: {  	_ =	shalt  }
0x5a: {  	_ =	shalt  }
0x5b: {  	_ =	shalt  }
0x5c: {  	_ =	shalt  }
0x5d: {  	_ =	shalt  }
0x5e: {  	_ =	shalt  }
0x5f: {  	_ =	shalt  }
0x60: {  	_ =	shalt  }
0x61: {  	_ =	shalt  }
0x62: {  	_ =	shalt  }
0x63: {  	_ =	shalt  }
0x64: {  	_ =	shalt  }
0x65: {  	_ =	shalt  }
0x66: {  	_ =	shalt  }
0x67: {  	_ =	shalt  }
0x68: {  	_ =	shalt  }
0x69: {  	_ =	shalt  }
0x6a: {  	_ =	shalt  }
0x6b: {  	_ =	shalt  }
0x6c: {  	_ =	shalt  }
0x6d: {  	_ =	shalt  }
0x6e: {  	_ =	shalt  }
0x6f: {  	_ =	shalt  }
0x70: {  	_ =	shalt  }
0x71: {  	_ =	shalt  }
0x72: {  	_ =	shalt  }
0x73: {  	_ =	shalt  }
0x74: {  	_ =	shalt  }
0x75: {  	_ =	shalt  }
0x76: {  	_ =	shalt  }
0x77: {  	_ =	shalt  }
0x78: {  	_ =	shalt  }
0x79: {  	_ =	shalt  }
0x7a: {  	_ =	shalt  }
0x7b: {  	_ =	shalt  }
0x7c: {  	_ =	shalt  }
0x7d: {  	_ =	shalt  }
0x7e: {  	_ =	shalt  }
0x7f: {  	_ =	shalt  }
0x80: {  	_ =	shalt  }
0x81: {  	_ =	shalt  }
0x82: {  	_ =	shalt  }
0x83: {  	_ =	shalt  }
0x84: {  	_ =	shalt  }
0x85: {  	_ =	shalt  }
0x86: {  	_ =	shalt  }
0x87: {  	_ =	shalt  }
.Lfunc_end0:
.L_simem_size_0:
called_computation_lowered:
.L_overlay_start_0:
0x88: {  	s2 =	sld [smem:$0x3FD9]  }
0x89: {  	s3 =	sld [smem:$0x3FFE];
	_ =	sdelay $0x1  }
0x8a: {  	s1 =	srdreg.scid  }
0x8b: {  	s0 =	sand.u32 $0x1, s1  }
0x8c: {  	s17 =	sshll.u32 s0, $0xA;
	s2 =	sadd.s32 s3, s2  }
0x8d: {  	s2 =	sadd.s32 s2, s17  }
0x8e: {  	[smem:$0x3FC3] =	sst s2  }
0x8f: {  	_ = 	snop  }
0x90: {  	s2 =	sld [smem:$0x3FD0];
	(tm) =	ssettm $0x1  }
0x91: {  	s18 =	sld [smem:$0x3FFB];
	_ =	sdelay $0x3  }
0x92: {  	_ =	strace s18  }
0x93: {  	s3 =	sld [smem:$0x3FFC];
	_ =	sdelay $0x3  }
0x94: {  	_ =	strace s3  }
0x95: {  	s3 =	sld [smem:$0x3FFD];
	_ =	sdelay $0x3  }
0x96: {  	_ =	strace s3  }
0x97: {  	_ =	strace $0x8FFFFFFF  }
0x98: {  	s19 =	sld [smem:$0x3FDB];
	_ =	sdelay $0x1  }
0x99: {  	s4 =	simm.s32 $_scs_section_size  }
0x9a: {  	s5 =	simm.s32 $_size__tile_overlayer_lowered;
	s6 =	simm.s32 $_tile_overlayer_lowered  }
0x9b: {  	s22 =	simm.s32 $0x1BFF;
	s21 =	sshll.u32 s6, $0x1;
	s3 =	sadd.s32 s4, s19  }
0x9c: {  	s7 =	simm.s32 $0x0;
	s20 =	sshll.u32 s5, $0x1;
	s5 =	sadd.s32 s21, s3  }
0x9d: {  	[timem:s7], [sflag:s22] =	dma.local [hbm:s5], s20  }
0x9e: {  	_ =	swait.ge [sflag:s22], s20  }
0x9f: {  	s4 =	ssub.s32 $0x0, s20;
	[sflag:s22] =	ssyncset.done $0x0  }
0xa0: {  	[sflag:s22] =	ssyncadd.s32 s4;
	_ =	sdelay $0x1  }
0xa1: {  	s23 =	simm.s32 $0x1B8B  }
0xa2: {  	_ =	swait.ge [sflag:s23], $0x1  }
0xa3: {  	[sflag:s23] =	ssyncset.done $0x0  }
0xa4: {  	s25 =	simm.s32 $0x1B8E;
	s24 =	sld [smem:$0x3FFE];
	[sflag:s23] =	ssyncadd.s32 $0xFFFFFFFF  }
0xa5: {  	s26 =	simm.s32 $execute0_lowered;
	[smem:$0x3FD2] =	sst s25  }
0xa6: {  	s5 =	sshll.u32 s26, $0x1;
	_ =	strace $0x80000046;
	[dreg:$0x1] =	wrdreg $0xFFFFFFFF  }
0xa7: {  	s28 =	simm.s32 $_size_execute0_lowered;
	s3 =	sadd.s32 s3, s5;
	[dreg:$0x0] =	wrdreg $0x0  }
0xa8: {  	s5 =	sshll.u32 s28, $0x1;
	[dreg:$0x2] =	wrdreg s3  }
0xa9: {  	[dreg:$0x3] =	wrdreg s5  }
0xaa: {  	[dreg:$0x4] =	wrdreg $0xC0  }
0xab: {  	_ =	task [dreg:s7], $0x5FFFF  }
0xac: {  	[dreg:$0x1] =	wrdreg $0xFFFFFFFF  }
0xad: {  	[dreg:$0x0] =	wrdreg $0x60  }
0xae: {  	[dreg:$0x2] =	wrdreg s2  }
0xaf: {  	[dreg:$0x3] =	wrdreg s24  }
0xb0: {  	[dreg:$0x4] =	wrdreg $0x29000  }
0xb1: {  	[dreg:$0x5] =	wrdreg $0x9  }
0xb2: {  	_ =	task.clear_ibuf [dreg:s7], $0x6FFFF;
	_ =	strace $0x90000046  }
0xb3: {  	s29 =	simm.s32 $0x9;
	_ =	strace $0x80000048  }
0xb4: {  	_ =	swait.ge [sflag:s29], $0x1  }
0xb5: {  	[sflag:s29] =	ssyncadd.s32 $0xFFFFFFFF  }
0xb6: {  	_ =	strace $0x90000048  }
0xb7: {  	_ =	sfence  }
0xb8: {  	s30 =	sld [smem:$0x0];
	_ =	sdelay $0x2  }
0xb9: {  	s31 =	sshll.u32 s1, $0xD;
	s1 =	sshrl.u32 s1, $0x2  }
0xba: {  	s3 =	sand.u32 $0x4000, s31;
	s1 =	sadd.s32 s1, s30  }
0xbb: {  	s0 =	sor.u32 s3, s0;
	s1 =	sshll.u32 s1, $0x11  }
0xbc: {  	s0 =	sor.u32 s1, s0  }
0xbd: {  	s0 =	sadd.s32 $0x8F2B, s0  }
0xbe: {  	[sflag:s0] =	ssyncadd.remote.s32 $0x1  }
0xbf: {  	_ =	sfence.sel $0xFFFF  }
0xc0: {  	[dreg:$0x0] =	wrdreg $0xFFFFFFFF;
	(pc) =	sbr.abs _section_cstart, $3  }
0xc1: {  	[dreg:$0x1] =	wrdreg $0xFFFFFFFF  }
0xc2: {  	_ =	task.clear_ibuf [dreg:s7], $0x2FFFF;
	_ =	strace $0x9FFFFFFF  }
0xc3: {  	(tm) =	ssettm $0x7FFFFFFF  }
tec
execute0_lowered:
.L_overlay_start_1:
0x0: {  	(tag) =	ssettag $0x1  }
0x1: {  	s1 =	rddreg [dreg:$0x0]  }
0x2: {  	s0 =	rddreg [dreg:$0x1]  }
0x3: {  	s3 =	rddreg [dreg:$0x2];
	s4 =	simm.s32 $0x0;
	s2 =	stileid.u32  }
0x4: {  	s5 =	srdreg.scid;
	s29 =	simm.s32 $0x50;
	s6 =	smul.u32 $0xFA0, s2  }
0x5: {  	s30 =	simm.s32 $0x0;
	[smem:$0x7FF] =	sst s4;
	s8 =	smul.u32 $0x50000, s2  }
0x6: {  	s18 =	sand.u32 $0x1, s5;
	s13 =	smul.u32 $0x14000, s2;
	s25 =	sadd.s32 $0x20200, s0  }
0x7: {  	_ =	strace $0x80000047;
	s7 =	ssub.s32 $0x2, s18;
	[dreg:$0x4] =	wrdreg s25  }
0x8: {  	s19 =	smul.u32 $0x140000, s18;
	s21 =	sadd.s32 s6, s0;
	s24 =	sshrl.u32 s7, $0x1  }
0x9: {  	s0 =	sadd.s32 $0x20800, s0;
	s26 =	sshrl.u32 s8, $0x2;
	s14 =	sor.u32 $0x2800, s13  }
0xa: {  	s15 =	sadd.s32 $0x5000, s13;
	s16 =	sadd.s32 $0x7800, s13;
	s17 =	sadd.s32 $0xA000, s13  }
0xb: {  	s20 =	sadd.s32 $0xC800, s13;
	s23 =	sadd.s32 $0xF000, s13;
	s22 =	ssub.s32 s7, s24  }
0xc: {  	s6 =	sadd.s32 s26, s3;
	s7 =	sadd.s32 s14, s3;
	s8 =	sadd.s32 s15, s3  }
0xd: {  	s9 =	sadd.s32 s16, s3;
	s10 =	sadd.s32 s17, s3;
	s11 =	sadd.s32 s20, s3  }
0xe: {  	s24 =	sadd.s32 s13, s19;
	s12 =	sadd.s32 s23, s3;
	s13 =	sadd.s32 $0x11800, s13  }
0xf: {  	s25 =	sadd.s32 s19, s14;
	s15 =	sadd.s32 s19, s15;
	s16 =	sadd.s32 s19, s16  }
0x10: {  	s26 =	sadd.s32 s19, s17;
	s20 =	sadd.s32 s19, s20;
	s23 =	sadd.s32 s19, s23  }
0x11: {  	s24 =	sshrl.u32 s24, $0x3;
	s28 =	sadd.s32 s19, s13;
	s13 =	sadd.s32 s13, s3  }
0x12: {  	s2 =	sshrl.u32 s25, $0x3;
	s5 =	sshrl.u32 s15, $0x3;
	s14 =	sshrl.u32 s16, $0x3  }
0x13: {  	s20 =	sshrl.u32 s20, $0x3;
	s25 =	smul.u32 $0x7D0, s18;
	s22 =	smax.u32 s22, $0x1  }
0x14: {  	s31 =	sadd.s32 s0, s24;
	s15 =	sadd.s32 s0, s2;
	s16 =	sadd.s32 s0, s5  }
0x15: {  	s17 =	sadd.s32 s0, s14;
	s24 =	sshrl.u32 s26, $0x3;
	s19 =	sadd.s32 s0, s20  }
0x16: {  	s26 =	sshrl.u32 s23, $0x3;
	[dreg:$0x5] =	wrdreg s31;
	s18 =	sadd.s32 s0, s24  }
0x17: {  	s20 =	sadd.s32 s0, s26;
	s31 =	sshrl.u32 s28, $0x3;
	s24 =	sadd.s32 s25, s21  }
0x18: {  	s25 =	simm.s32 $0x100;
	s26 =	simm.s32 $0x1;
	s28 =	simm.s32 $0x80  }
0x19: {  	s21 =	sadd.s32 s0, s31;
	s23 =	sadd.s32 $0xE00, s24;
	s24 =	sadd.s32 $0x10800, s24  }
.LBB2_1:
0x1a: {  	s0 =	rddreg [dreg:$0x4]  }
0x1b: {  	[tilespmem:s25], [sflag:$0x1] =	stream.linear.gather [hbm4b:s0+s4], $0x2800, $0x38;
	[tilespmem:$0x16900] =	vst v63  }
0x1c: {  	_ =	swait.ge [sflag:s26], $0x2800  }
0x1d: {  	[sflag:s26] =	ssyncset.done $0x0  }
0x1e: {  	[sflag:s26] =	ssyncadd.s32 $0xFFFFD800  }
0x1f: {  	[spmem:s6] =	stream.linear.scatter [tilespmem:s25], [sflag:$0x1], $0x2800, $0x38;
	[tilespmem:$0x16900] =	vst v63  }
0x20: {  	_ =	swait.ge [sflag:s26], $0x2800  }
0x21: {  	[sflag:s26] =	ssyncset.done $0x0  }
0x22: {  	[sflag:s26] =	ssyncadd.s32 $0xFFFFD800  }
0x23: {  	[spmem:s7] =	stream.linear.scatter [tilespmem:s25], [sflag:$0x1], $0x2800, $0x38;
	[tilespmem:$0x16900] =	vst v63  }
0x24: {  	_ =	swait.ge [sflag:s26], $0x2800  }
0x25: {  	[sflag:s26] =	ssyncset.done $0x0  }
0x26: {  	[sflag:s26] =	ssyncadd.s32 $0xFFFFD800  }
0x27: {  	[spmem:s8] =	stream.linear.scatter [tilespmem:s25], [sflag:$0x1], $0x2800, $0x38;
	[tilespmem:$0x16900] =	vst v63  }
0x28: {  	_ =	swait.ge [sflag:s26], $0x2800  }
0x29: {  	[sflag:s26] =	ssyncset.done $0x0  }
0x2a: {  	[sflag:s26] =	ssyncadd.s32 $0xFFFFD800  }
0x2b: {  	[spmem:s9] =	stream.linear.scatter [tilespmem:s25], [sflag:$0x1], $0x2800, $0x38;
	[tilespmem:$0x16900] =	vst v63  }
0x2c: {  	_ =	swait.ge [sflag:s26], $0x2800  }
0x2d: {  	[sflag:s26] =	ssyncset.done $0x0  }
0x2e: {  	[sflag:s26] =	ssyncadd.s32 $0xFFFFD800  }
0x2f: {  	[spmem:s10] =	stream.linear.scatter [tilespmem:s25], [sflag:$0x1], $0x2800, $0x38;
	[tilespmem:$0x16900] =	vst v63  }
0x30: {  	_ =	swait.ge [sflag:s26], $0x2800  }
0x31: {  	[sflag:s26] =	ssyncset.done $0x0  }
0x32: {  	[sflag:s26] =	ssyncadd.s32 $0xFFFFD800  }
0x33: {  	[spmem:s11] =	stream.linear.scatter [tilespmem:s25], [sflag:$0x1], $0x2800, $0x38;
	[tilespmem:$0x16900] =	vst v63  }
0x34: {  	_ =	swait.ge [sflag:s26], $0x2800  }
0x35: {  	[sflag:s26] =	ssyncset.done $0x0  }
0x36: {  	[sflag:s26] =	ssyncadd.s32 $0xFFFFD800  }
0x37: {  	[spmem:s12] =	stream.linear.scatter [tilespmem:s25], [sflag:$0x1], $0x2800, $0x38;
	[tilespmem:$0x16900] =	vst v63  }
0x38: {  	_ =	swait.ge [sflag:s26], $0x2800  }
0x39: {  	[sflag:s26] =	ssyncset.done $0x0  }
0x3a: {  	[sflag:s26] =	ssyncadd.s32 $0xFFFFD800  }
0x3b: {  	[spmem:s13] =	stream.linear.scatter [tilespmem:s25], [sflag:$0x1], $0x2800, $0x38;
	[tilespmem:$0x16900] =	vst v63  }
0x3c: {  	_ =	swait.ge [sflag:s26], $0x2800  }
0x3d: {  	[sflag:s26] =	ssyncset.done $0x0  }
0x3e: {  	[sflag:s26] =	ssyncadd.s32 $0xFFFFD800  }
0x3f: {  	s5 =	sadd.s32 $0x0, s23;
	[bflag:$0x0] =	sbarrier.arrive $0xFFFF  }
0x40: {  	[tilespmem:s4], [sflag:$0x1] =	stream.linear.gather [hbm4b:s5+s4], $0x80, $0x38;
	[tilespmem:$0x16900] =	vst v63  }
0x41: {  	_ =	swait.ge [sflag:s26], $0x80  }
0x42: {  	[sflag:s26] =	ssyncset.done $0x0  }
0x43: {  	s14 =	sadd.s32 $0x0, s24;
	[sflag:s26] =	ssyncadd.s32 $0xFFFFFF80  }
0x44: {  	[tilespmem:s28], [sflag:$0x1] =	stream.linear.gather [hbm4b:s14+s4], $0x80, $0x38;
	[tilespmem:$0x16900] =	vst v63  }
0x45: {  	_ =	swait.ge [sflag:s26], $0x80  }
0x46: {  	[sflag:s26] =	ssyncset.done $0x0  }
0x47: {  	[sflag:s26] =	ssyncadd.s32 $0xFFFFFF80  }
0x48: {  	[tilespmem:s25], [sflag:$0x1] =	stream.indirect.gather [hbm4b:s1+s29], $0x80, s28, s29, $0xb8;
	[tilespmem:$0x16900] =	vst v63  }
0x49: {  	_ =	swait.ge [sflag:s26], $0x2800  }
0x4a: {  	[sflag:s26] =	ssyncset.done $0x0  }
0x4b: {  	[sflag:s26] =	ssyncadd.s32 $0xFFFFD800  }
0x4c: {  	[spmem:s3] =	stream.indirect.scatter.add.f32 [tilespmem:s25], [sflag:$0x1], $0x80, s4, s29, $0xb8;
	[tilespmem:$0x16900] =	vst v63  }
0x4d: {  	_ =	swait.ge [sflag:s26], $0x2800  }
0x4e: {  	s31 =	simm.s32 $0x10;
	s0 =	simm.s32 $0x20;
	[sflag:s26] =	ssyncset.done $0x0  }
.LBB2_2:
0x4f: {  	s2 =	sadd.s32 s31, s23  }
0x50: {  	[sflag:s26] =	ssyncadd.s32 $0xFFFFD800;
	s5 =	smov.u32 s0;
	s14 =	sadd.s32 $0x10, s0  }
0x51: {  	[tilespmem:s4], [sflag:$0x1] =	stream.linear.gather [hbm4b:s2+s4], $0x80, $0x38;
	[tilespmem:$0x16900] =	vst v63  }
0x52: {  	p0 =	sne.s32 s0, $0x7C0;
	_ =	swait.ge [sflag:s26], $0x80  }
0x53: {  	[sflag:s26] =	ssyncset.done $0x0  }
0x54: {  	s0 =	sadd.s32 s31, s24;
	s31 =	smov.u32 s5;
	[sflag:s26] =	ssyncadd.s32 $0xFFFFFF80  }
0x55: {  	[tilespmem:s28], [sflag:$0x1] =	stream.linear.gather [hbm4b:s0+s4], $0x80, $0x38;
	[tilespmem:$0x16900] =	vst v63  }
0x56: {  	_ =	swait.ge [sflag:s26], $0x80  }
0x57: {  	[sflag:s26] =	ssyncset.done $0x0  }
0x58: {  	[sflag:s26] =	ssyncadd.s32 $0xFFFFFF80  }
0x59: {  	[tilespmem:s25], [sflag:$0x1] =	stream.indirect.gather [hbm4b:s1+s29], $0x80, s28, s29, $0xb8;
	[tilespmem:$0x16900] =	vst v63  }
0x5a: {  	_ =	swait.ge [sflag:s26], $0x2800  }
.Ltmp0:
0x5b: {  	[sflag:s26] =	ssyncset.done $0x0;
	(pc) =	sbr.rel @p0 .LBB2_2-.Ltmp0, $4  }
0x5c: {  	[sflag:s26] =	ssyncadd.s32 $0xFFFFD800  }
0x5d: {  	[spmem:s3] =	stream.indirect.scatter.add.f32 [tilespmem:s25], [sflag:$0x1], $0x80, s4, s29, $0xb8;
	[tilespmem:$0x16900] =	vst v63  }
0x5e: {  	_ =	swait.ge [sflag:s26], $0x2800  }
0x5f: {  	s0 =	smov.u32 s14;
	[sflag:s26] =	ssyncset.done $0x0  }
0x60: {  	s0 =	sadd.s32 s31, s23;
	[sflag:s26] =	ssyncadd.s32 $0xFFFFD800  }
0x61: {  	[tilespmem:s4], [sflag:$0x1] =	stream.linear.gather [hbm4b:s0+s4], $0x80, $0x38;
	[tilespmem:$0x16900] =	vst v63  }
0x62: {  	_ =	swait.ge [sflag:s26], $0x80  }
0x63: {  	[sflag:s26] =	ssyncset.done $0x0  }
0x64: {  	s14 =	sadd.s32 s31, s24;
	[sflag:s26] =	ssyncadd.s32 $0xFFFFFF80  }
0x65: {  	[tilespmem:s28], [sflag:$0x1] =	stream.linear.gather [hbm4b:s14+s4], $0x80, $0x38;
	[tilespmem:$0x16900] =	vst v63  }
0x66: {  	_ =	swait.ge [sflag:s26], $0x80  }
0x67: {  	[sflag:s26] =	ssyncset.done $0x0  }
0x68: {  	[sflag:s26] =	ssyncadd.s32 $0xFFFFFF80  }
0x69: {  	[tilespmem:s25], [sflag:$0x1] =	stream.indirect.gather [hbm4b:s1+s29], $0x80, s28, s29, $0xb8;
	[tilespmem:$0x16900] =	vst v63  }
0x6a: {  	_ =	swait.ge [sflag:s26], $0x2800  }
0x6b: {  	[sflag:s26] =	ssyncset.done $0x0  }
0x6c: {  	[sflag:s26] =	ssyncadd.s32 $0xFFFFD800  }
0x6d: {  	[spmem:s3] =	stream.indirect.scatter.add.f32 [tilespmem:s25], [sflag:$0x1], $0x80, s4, s29, $0xb8;
	[tilespmem:$0x16900] =	vst v63  }
0x6e: {  	_ =	swait.ge [sflag:s26], $0x2800  }
0x6f: {  	[sflag:s26] =	ssyncset.done $0x0  }
0x70: {  	[sflag:s26] =	ssyncadd.s32 $0xFFFFD800  }
0x71: {  	[bflag:$0x0] =	sbarrier.arrive $0xFFFF  }
0x72: {  	[tilespmem:s25], [sflag:$0x1] =	stream.linear.gather [spmem:s6], $0x2800, $0x38;
	[tilespmem:$0x16900] =	vst v63  }
0x73: {  	_ =	swait.ge [sflag:s26], $0x2800  }
0x74: {  	[sflag:s26] =	ssyncset.done $0x0  }
0x75: {  	s31 =	rddreg [dreg:$0x5];
	[sflag:s26] =	ssyncadd.s32 $0xFFFFD800  }
0x76: {  	[hbm4b:s31+s4] =	stream.linear.scatter [tilespmem:s25], [sflag:$0x1], $0x2800, $0x38;
	[tilespmem:$0x16900] =	vst v63  }
0x77: {  	_ =	swait.ge [sflag:s26], $0x2800  }
0x78: {  	[sflag:s26] =	ssyncset.done $0x0  }
0x79: {  	[sflag:s26] =	ssyncadd.s32 $0xFFFFD800  }
0x7a: {  	[tilespmem:s25], [sflag:$0x1] =	stream.linear.gather [spmem:s7], $0x2800, $0x38;
	[tilespmem:$0x16900] =	vst v63  }
0x7b: {  	_ =	swait.ge [sflag:s26], $0x2800  }
0x7c: {  	[sflag:s26] =	ssyncset.done $0x0  }
0x7d: {  	[sflag:s26] =	ssyncadd.s32 $0xFFFFD800  }
0x7e: {  	[hbm4b:s15+s4] =	stream.linear.scatter [tilespmem:s25], [sflag:$0x1], $0x2800, $0x38;
	[tilespmem:$0x16900] =	vst v63  }
0x7f: {  	_ =	swait.ge [sflag:s26], $0x2800  }
0x80: {  	[sflag:s26] =	ssyncset.done $0x0  }
0x81: {  	[sflag:s26] =	ssyncadd.s32 $0xFFFFD800  }
0x82: {  	[tilespmem:s25], [sflag:$0x1] =	stream.linear.gather [spmem:s8], $0x2800, $0x38;
	[tilespmem:$0x16900] =	vst v63  }
0x83: {  	_ =	swait.ge [sflag:s26], $0x2800  }
0x84: {  	[sflag:s26] =	ssyncset.done $0x0  }
0x85: {  	[sflag:s26] =	ssyncadd.s32 $0xFFFFD800  }
0x86: {  	[hbm4b:s16+s4] =	stream.linear.scatter [tilespmem:s25], [sflag:$0x1], $0x2800, $0x38;
	[tilespmem:$0x16900] =	vst v63  }
0x87: {  	_ =	swait.ge [sflag:s26], $0x2800  }
0x88: {  	[sflag:s26] =	ssyncset.done $0x0  }
0x89: {  	[sflag:s26] =	ssyncadd.s32 $0xFFFFD800  }
0x8a: {  	[tilespmem:s25], [sflag:$0x1] =	stream.linear.gather [spmem:s9], $0x2800, $0x38;
	[tilespmem:$0x16900] =	vst v63  }
0x8b: {  	_ =	swait.ge [sflag:s26], $0x2800  }
0x8c: {  	[sflag:s26] =	ssyncset.done $0x0  }
0x8d: {  	[sflag:s26] =	ssyncadd.s32 $0xFFFFD800  }
0x8e: {  	[hbm4b:s17+s4] =	stream.linear.scatter [tilespmem:s25], [sflag:$0x1], $0x2800, $0x38;
	[tilespmem:$0x16900] =	vst v63  }
0x8f: {  	_ =	swait.ge [sflag:s26], $0x2800  }
0x90: {  	[sflag:s26] =	ssyncset.done $0x0  }
0x91: {  	[sflag:s26] =	ssyncadd.s32 $0xFFFFD800  }
0x92: {  	[tilespmem:s25], [sflag:$0x1] =	stream.linear.gather [spmem:s10], $0x2800, $0x38;
	[tilespmem:$0x16900] =	vst v63  }
0x93: {  	_ =	swait.ge [sflag:s26], $0x2800  }
0x94: {  	[sflag:s26] =	ssyncset.done $0x0  }
0x95: {  	[sflag:s26] =	ssyncadd.s32 $0xFFFFD800  }
0x96: {  	[hbm4b:s18+s4] =	stream.linear.scatter [tilespmem:s25], [sflag:$0x1], $0x2800, $0x38;
	[tilespmem:$0x16900] =	vst v63  }
0x97: {  	_ =	swait.ge [sflag:s26], $0x2800  }
0x98: {  	[sflag:s26] =	ssyncset.done $0x0  }
0x99: {  	[sflag:s26] =	ssyncadd.s32 $0xFFFFD800  }
0x9a: {  	[tilespmem:s25], [sflag:$0x1] =	stream.linear.gather [spmem:s11], $0x2800, $0x38;
	[tilespmem:$0x16900] =	vst v63  }
0x9b: {  	_ =	swait.ge [sflag:s26], $0x2800  }
0x9c: {  	[sflag:s26] =	ssyncset.done $0x0  }
0x9d: {  	[sflag:s26] =	ssyncadd.s32 $0xFFFFD800  }
0x9e: {  	[hbm4b:s19+s4] =	stream.linear.scatter [tilespmem:s25], [sflag:$0x1], $0x2800, $0x38;
	[tilespmem:$0x16900] =	vst v63  }
0x9f: {  	_ =	swait.ge [sflag:s26], $0x2800  }
0xa0: {  	[sflag:s26] =	ssyncset.done $0x0  }
0xa1: {  	[sflag:s26] =	ssyncadd.s32 $0xFFFFD800  }
0xa2: {  	[tilespmem:s25], [sflag:$0x1] =	stream.linear.gather [spmem:s12], $0x2800, $0x38;
	[tilespmem:$0x16900] =	vst v63  }
0xa3: {  	_ =	swait.ge [sflag:s26], $0x2800  }
0xa4: {  	[sflag:s26] =	ssyncset.done $0x0  }
0xa5: {  	[sflag:s26] =	ssyncadd.s32 $0xFFFFD800  }
0xa6: {  	[hbm4b:s20+s4] =	stream.linear.scatter [tilespmem:s25], [sflag:$0x1], $0x2800, $0x38;
	[tilespmem:$0x16900] =	vst v63  }
0xa7: {  	_ =	swait.ge [sflag:s26], $0x2800  }
0xa8: {  	[sflag:s26] =	ssyncset.done $0x0  }
0xa9: {  	[sflag:s26] =	ssyncadd.s32 $0xFFFFD800  }
0xaa: {  	[tilespmem:s25], [sflag:$0x1] =	stream.linear.gather [spmem:s13], $0x2800, $0x38;
	[tilespmem:$0x16900] =	vst v63  }
0xab: {  	s30 =	sadd.s32 $0x1, s30;
	_ =	swait.ge [sflag:s26], $0x2800  }
0xac: {  	p0 =	sne.s32 s30, s22;
	[sflag:s26] =	ssyncset.done $0x0  }
.Ltmp1:
0xad: {  	[sflag:s26] =	ssyncadd.s32 $0xFFFFD800;
	(pc) =	sbr.rel @p0 .LBB2_1-.Ltmp1, $4  }
0xae: {  	[hbm4b:s21+s4] =	stream.linear.scatter [tilespmem:s25], [sflag:$0x1], $0x2800, $0x38;
	[tilespmem:$0x16900] =	vst v63  }
0xaf: {  	_ =	swait.ge [sflag:s26], $0x2800  }
0xb0: {  	[sflag:s26] =	ssyncset.done $0x0  }
0xb1: {  	[sflag:s26] =	ssyncadd.s32 $0xFFFFD800  }
0xb2: {  	_ =	sfence.sel $0x180000  }
0xb3: {  	[bflag:$0x0] =	sbarrier.arrive $0xFFFF  }
0xb4: {  	_ =	strace $0x90000047  }
0xb5: {  	s0 =	stileid.u32;
	[bflag:$0x2] =	sbarrier.arrive $0xFFFF  }
0xb6: {  	p0 =	sne.s32 s0, $0x0;
	s0 =	rddreg [dreg:$0x3]  }
0xb7: {  	s0 =	sadd.s32 @!p0 $0x100000, s0  }
0xb8: {  	[sflag:s0] =	ssyncadd.tile.s32 @!p0 $0x1;
	_ =	shalt  }
.Lfunc_end2:
_tile_overlayer_lowered:
.L_overlay_start_2:
0xb9: {  	(tag) =	ssettag $0x2  }
0xba: {  	s0 =	rddreg [dreg:$0x0];
	s2 =	stileid.u32  }
0xbb: {  	s1 =	rddreg [dreg:$0x1];
	p0 =	sne.s32 s2, $0x0  }
0xbc: {  	s3 =	rddreg [dreg:$0x2];
	[bflag:$0x3] =	sbarrier.arrive $0xFFFF;
	s2 =	simm.s32 @!p0 $0x1C01  }
0xbd: {  	[timem:s3], [sflag:s2] =	dma.local @!p0 [hbm:s0], s1  }
0xbe: {  	s0 =	simm.s32 @!p0 $0x1  }
0xbf: {  	_ =	swait.ge @!p0 [sflag:s0], s1  }
0xc0: {  	s1 =	ssub.s32 @!p0 $0x0, s1;
	[sflag:s0] =	ssyncset.done @!p0 $0x0  }
0xc1: {  	[sflag:s0] =	ssyncadd.s32 @!p0 s1  }
0xc2: {  	[bflag:$0x3] =	sbarrier.arrive $0xFFFF  }
0xc3: {  	_ =	shalt  }

// kernel: kernel.8.cloned.1.call-start
scs
__scs_entry_jumppad:
0x0: {  	(pc) =	sbr.rel $0x88, $3  }
0x1: {  	(tag) =	ssettag $0x0;
	lr =	simm.s32 $0x1  }
0x2: {  	[smem:$0x3F9C] =	sst lr;
	_ =	strace $0xD0000000  }
0x3: {  	_ = 	snop  }
0x4: {  	_ = 	snop  }
0x5: {  	_ = 	snop  }
0x6: {  	_ = 	snop  }
0x7: {  	_ = 	snop  }
__scs_overlays_trampoline_lowered:
0x8: {  	[smem:$0x3FAB] =	sst s0  }
0x9: {  	[smem:$0x3FAC] =	sst s1  }
0xa: {  	[smem:$0x3FAD] =	sst s2  }
0xb: {  	[smem:$0x3FAE] =	sst s3  }
0xc: {  	[smem:$0x3FAF] =	sst s4  }
0xd: {  	[smem:$0x3FB0] =	sst s5  }
0xe: {  	[smem:$0x3FB1] =	sst s6  }
0xf: {  	[smem:$0x3FB2] =	sst s7  }
0x10: {  	[smem:$0x3FB3] =	sst s8  }
0x11: {  	[smem:$0x3FB4] =	sst s9;
	s0 =	simm.s32 @!p0 $0x0  }
0x12: {  	s1 =	sld [smem:$0x3F9A];
	s0 =	simm.s32 @p0 $0x1  }
0x13: {  	[smem:$0x3FB5] =	sst s0;
	s0 =	simm.s32 @!p1 $0x0  }
0x14: {  	s2 =	sld [smem:$0x3F99];
	s0 =	simm.s32 @p1 $0x1  }
0x15: {  	[smem:$0x3FB6] =	sst s0;
	s0 =	simm.s32 @!p2 $0x0  }
0x16: {  	s3 =	sld [smem:$0x3FDB];
	s0 =	simm.s32 @p2 $0x1  }
0x17: {  	s4 =	simm.s32 $0x1BF5;
	[smem:$0x3FB8] =	sst s0  }
0x18: {  	s0 =	sld [smem:$0x3F9B];
	_ =	swait.ge [sflag:s4], $0x0  }
0x19: {  	s7 =	sld [smem:$0x3F9C]  }
0x1a: {  	s8 =	sadd.s32 $0xFFFFE003, lr  }
0x1b: {  	s9 =	sadd.s32 $0xFFFFFEF7, lr;
	s5 =	simm.s32 $0xFFFFFFFF;
	p2 =	slt.u32 s8, $0xFFFFF086  }
0x1c: {  	p1 =	slt.u32 s9, $0xF7A;
	s5 =	simm.s32 @!p2 $0x0  }
0x1d: {  	s5 =	simm.s32 @p1 $0x1;
	p0 =	seq.s32 s7, s2  }
0x1e: {  	s7 =	smul.u32 @!p0 $0xF7A, s2;
	p2 =	seq.s32 @!p0 s5, $0x0  }
0x1f: {  	s9 =	smul.u32 $0xF7A, s1;
	s8 =	simm.s32 @!p0 $0x1BF5;
	p2 =	por !p2, p0  }
0x20: {  	[sflag:s8] =	ssyncset.s32 @!p0 $0xFFFFF086;
	s6 =	sadd.s32 @!p0 s3, s7;
	s7 =	simm.s32 @!p0 $0x108  }
0x21: {  	s3 =	sadd.s32 s3, s9;
	s6 =	sadd.s32 @!p0 $0x88, s6;
	s7 =	simm.s32 @p2 $0x1082  }
0x22: {  	[simem:s7], [sflag:s8] =	dma.local @!p0 [hbm:s6], $0xF7A  }
0x23: {  	s9 =	sor.u32 $0xD0000000, s2;
	s6 =	simm.s32 $0x108;
	_ =	swait.ge @!p0 [sflag:s8], $0x0  }
0x24: {  	s3 =	sadd.s32 $0x88, s3;
	s6 =	simm.s32 @!p1 $0x1082;
	[sflag:s4] =	ssyncset.s32 $0xFFFFF086  }
0x25: {  	[simem:s6], [sflag:s4] =	dma.local [hbm:s3], $0xF7A  }
0x26: {  	[smem:$0x3F9C] =	sst s1;
	(tag) =	ssettag s2;
	_ =	strace s9  }
0x27: {  	s1 =	sld [smem:$0x3FAC]  }
0x28: {  	s2 =	sld [smem:$0x3FAD]  }
0x29: {  	s4 =	sld [smem:$0x3FAF]  }
0x2a: {  	p0 =	seq.s32 s5, $0x0;
	s5 =	sld [smem:$0x3FB0]  }
0x2b: {  	s6 =	sld [smem:$0x3FB1]  }
0x2c: {  	s7 =	sld [smem:$0x3FB2]  }
0x2d: {  	s3 =	simm.s32 $0x108;
	s8 =	sld [smem:$0x3FB3]  }
0x2e: {  	s3 =	simm.s32 @!p0 $0x1082;
	s9 =	sld [smem:$0x3FB4]  }
0x2f: {  	lr =	sadd.s32 s0, s3;
	s0 =	sld [smem:$0x3FAB]  }
0x30: {  	s3 =	sld [smem:$0x3FAE]  }
0x31: {  	[smem:$0x3FB7] =	sst s10  }
0x32: {  	s10 =	sld [smem:$0x3FB5];
	_ =	sdelay $0x3  }
0x33: {  	p0 =	seq.s32 s10, $0x1;
	s10 =	sld [smem:$0x3FB7];
	_ =	sdelay $0x3  }
0x34: {  	[smem:$0x3FB7] =	sst s10  }
0x35: {  	s10 =	sld [smem:$0x3FB6];
	_ =	sdelay $0x3  }
0x36: {  	p1 =	seq.s32 s10, $0x1;
	s10 =	sld [smem:$0x3FB7];
	_ =	sdelay $0x3  }
0x37: {  	[smem:$0x3FB7] =	sst s10  }
0x38: {  	s10 =	sld [smem:$0x3FB8]  }
0x39: {  	_ = 	snop;
	(pc) =	sbr.ind lr, $3  }
0x3a: {  	_ = 	snop  }
0x3b: {  	_ = 	snop  }
0x3c: {  	p2 =	seq.s32 s10, $0x1;
	s10 =	sld [smem:$0x3FB7]  }
0x3d: {  	_ =	shalt  }
0x3e: {  	_ =	shalt  }
0x3f: {  	_ =	shalt  }
0x40: {  	_ =	shalt  }
0x41: {  	_ =	shalt  }
0x42: {  	_ =	shalt  }
0x43: {  	_ =	shalt  }
0x44: {  	_ =	shalt  }
0x45: {  	_ =	shalt  }
0x46: {  	_ =	shalt  }
0x47: {  	_ =	shalt  }
0x48: {  	_ =	shalt  }
0x49: {  	_ =	shalt  }
0x4a: {  	_ =	shalt  }
0x4b: {  	_ =	shalt  }
0x4c: {  	_ =	shalt  }
0x4d: {  	_ =	shalt  }
0x4e: {  	_ =	shalt  }
0x4f: {  	_ =	shalt  }
0x50: {  	_ =	shalt  }
0x51: {  	_ =	shalt  }
0x52: {  	_ =	shalt  }
0x53: {  	_ =	shalt  }
0x54: {  	_ =	shalt  }
0x55: {  	_ =	shalt  }
0x56: {  	_ =	shalt  }
0x57: {  	_ =	shalt  }
0x58: {  	_ =	shalt  }
0x59: {  	_ =	shalt  }
0x5a: {  	_ =	shalt  }
0x5b: {  	_ =	shalt  }
0x5c: {  	_ =	shalt  }
0x5d: {  	_ =	shalt  }
0x5e: {  	_ =	shalt  }
0x5f: {  	_ =	shalt  }
0x60: {  	_ =	shalt  }
0x61: {  	_ =	shalt  }
0x62: {  	_ =	shalt  }
0x63: {  	_ =	shalt  }
0x64: {  	_ =	shalt  }
0x65: {  	_ =	shalt  }
0x66: {  	_ =	shalt  }
0x67: {  	_ =	shalt  }
0x68: {  	_ =	shalt  }
0x69: {  	_ =	shalt  }
0x6a: {  	_ =	shalt  }
0x6b: {  	_ =	shalt  }
0x6c: {  	_ =	shalt  }
0x6d: {  	_ =	shalt  }
0x6e: {  	_ =	shalt  }
0x6f: {  	_ =	shalt  }
0x70: {  	_ =	shalt  }
0x71: {  	_ =	shalt  }
0x72: {  	_ =	shalt  }
0x73: {  	_ =	shalt  }
0x74: {  	_ =	shalt  }
0x75: {  	_ =	shalt  }
0x76: {  	_ =	shalt  }
0x77: {  	_ =	shalt  }
0x78: {  	_ =	shalt  }
0x79: {  	_ =	shalt  }
0x7a: {  	_ =	shalt  }
0x7b: {  	_ =	shalt  }
0x7c: {  	_ =	shalt  }
0x7d: {  	_ =	shalt  }
0x7e: {  	_ =	shalt  }
0x7f: {  	_ =	shalt  }
0x80: {  	_ =	shalt  }
0x81: {  	_ =	shalt  }
0x82: {  	_ =	shalt  }
0x83: {  	_ =	shalt  }
0x84: {  	_ =	shalt  }
0x85: {  	_ =	shalt  }
0x86: {  	_ =	shalt  }
0x87: {  	_ =	shalt  }
.Lfunc_end0:
.L_simem_size_0:
called_computation.1_lowered:
.L_overlay_start_0:
0x88: {  	s2 =	sld [smem:$0x3FD9]  }
0x89: {  	s3 =	sld [smem:$0x3FFE];
	_ =	sdelay $0x1  }
0x8a: {  	s1 =	srdreg.scid  }
0x8b: {  	s0 =	sand.u32 $0x1, s1  }
0x8c: {  	s17 =	sshll.u32 s0, $0xA;
	s2 =	sadd.s32 s3, s2  }
0x8d: {  	s2 =	sadd.s32 s2, s17  }
0x8e: {  	[smem:$0x3FC3] =	sst s2  }
0x8f: {  	_ = 	snop  }
0x90: {  	(tm) =	ssettm $0x1  }
0x91: {  	s18 =	sld [smem:$0x3FFB];
	_ =	sdelay $0x3  }
0x92: {  	_ =	strace s18  }
0x93: {  	s2 =	sld [smem:$0x3FFC];
	_ =	sdelay $0x3  }
0x94: {  	_ =	strace s2  }
0x95: {  	s2 =	sld [smem:$0x3FFD];
	_ =	sdelay $0x3  }
0x96: {  	_ =	strace s2  }
0x97: {  	_ =	strace $0x8FFFFFFF  }
0x98: {  	s19 =	sld [smem:$0x3FDB];
	_ =	sdelay $0x1  }
0x99: {  	s20 =	simm.s32 $_scs_section_size  }
0x9a: {  	s4 =	simm.s32 $_size__tile_overlayer_lowered;
	s5 =	simm.s32 $_tile_overlayer_lowered  }
0x9b: {  	s6 =	simm.s32 $0x1BFF;
	s21 =	sshll.u32 s5, $0x1;
	s3 =	sadd.s32 s20, s19  }
0x9c: {  	s22 =	simm.s32 $0x0;
	s4 =	sshll.u32 s4, $0x1;
	s5 =	sadd.s32 s21, s3  }
0x9d: {  	[timem:s22], [sflag:s6] =	dma.local [hbm:s5], s4  }
0x9e: {  	_ =	swait.ge [sflag:s6], s4  }
0x9f: {  	s4 =	ssub.s32 $0x0, s4;
	[sflag:s6] =	ssyncset.done $0x0  }
0xa0: {  	[sflag:s6] =	ssyncadd.s32 s4;
	_ =	sdelay $0x1  }
0xa1: {  	s23 =	simm.s32 $0x1B8B  }
0xa2: {  	_ =	swait.ge [sflag:s23], $0x1  }
0xa3: {  	[sflag:s23] =	ssyncset.done $0x0  }
0xa4: {  	[sflag:s23] =	ssyncadd.s32 $0xFFFFFFFF  }
0xa5: {  	s4 =	sld [smem:$0x0]  }
0xa6: {  	s5 =	sand.u32 $0xFFFFFFFE, s1  }
0xa7: {  	p0 =	sne.s32 s1, s5  }
0xa8: {  	s5 =	sshll.u32 @p0 s5, $0xE  }
0xa9: {  	s5 =	sadd.s32 @p0 $0x11B8D, s5;
	s6 =	sshll.u32 @p0 s4, $0x11  }
0xaa: {  	s5 =	sor.u32 @p0 s6, s5  }
0xab: {  	[sflag:s5] =	ssyncadd.remote.s32 @p0 $0x1;
	_ =	sdelay $0x1  }
0xac: {  	s5 =	simm.s32 @p0 $0x1B8D  }
0xad: {  	_ =	swait.eq @p0 [sflag:s5], $0x1  }
0xae: {  	[sflag:s5] =	ssyncadd.s32 @p0 $0xFFFFFFFF  }
0xaf: {  	s6 =	sshll.u32 @!p0 s1, $0xE  }
0xb0: {  	s6 =	sor.u32 @!p0 $0x4000, s6;
	s5 =	simm.s32 @!p0 $0x1B8D  }
0xb1: {  	s4 =	sshll.u32 @!p0 s4, $0x11;
	s6 =	sadd.s32 @!p0 $0x11B8D, s6;
	_ =	swait.eq @!p0 [sflag:s5], $0x1  }
0xb2: {  	s4 =	sor.u32 @!p0 s4, s6;
	[sflag:s5] =	ssyncadd.s32 @!p0 $0xFFFFFFFF  }
0xb3: {  	s25 =	simm.s32 $0x1B8E;
	s24 =	sld [smem:$0x3FFE];
	[sflag:s4] =	ssyncadd.remote.s32 @!p0 $0x1  }
0xb4: {  	s26 =	simm.s32 $execute0_lowered;
	[smem:$0x3FD2] =	sst s25  }
0xb5: {  	s5 =	sshll.u32 s26, $0x1;
	_ =	strace $0x80000049;
	[dreg:$0x1] =	wrdreg $0xFFFFFFFF  }
0xb6: {  	s28 =	simm.s32 $_size_execute0_lowered;
	s3 =	sadd.s32 s3, s5;
	[dreg:$0x0] =	wrdreg $0x0  }
0xb7: {  	s5 =	sshll.u32 s28, $0x1;
	[dreg:$0x2] =	wrdreg s3  }
0xb8: {  	[dreg:$0x3] =	wrdreg s5  }
0xb9: {  	[dreg:$0x4] =	wrdreg $0xC0  }
0xba: {  	_ =	task [dreg:s22], $0x5FFFF  }
0xbb: {  	[dreg:$0x1] =	wrdreg $0xFFFFFFFF  }
0xbc: {  	[dreg:$0x0] =	wrdreg $0x60  }
0xbd: {  	[dreg:$0x2] =	wrdreg s24  }
0xbe: {  	[dreg:$0x3] =	wrdreg $0x28800  }
0xbf: {  	[dreg:$0x4] =	wrdreg $0xA  }
0xc0: {  	_ =	task.clear_ibuf [dreg:s22], $0x5FFFF;
	_ =	strace $0x90000049  }
0xc1: {  	s29 =	simm.s32 $0xA;
	_ =	strace $0x8000004B  }
0xc2: {  	_ =	swait.ge [sflag:s29], $0x1  }
0xc3: {  	[sflag:s29] =	ssyncadd.s32 $0xFFFFFFFF  }
0xc4: {  	_ =	strace $0x9000004B  }
0xc5: {  	_ =	sfence  }
0xc6: {  	s30 =	sld [smem:$0x0];
	_ =	sdelay $0x2  }
0xc7: {  	s31 =	sshll.u32 s1, $0xD;
	s1 =	sshrl.u32 s1, $0x2  }
0xc8: {  	s4 =	sand.u32 $0x4000, s31;
	s1 =	sadd.s32 s1, s30  }
0xc9: {  	s0 =	sor.u32 s4, s0;
	s1 =	sshll.u32 s1, $0x11  }
0xca: {  	s0 =	sor.u32 s1, s0  }
0xcb: {  	s0 =	sadd.s32 $0x8F2B, s0  }
0xcc: {  	[sflag:s0] =	ssyncadd.remote.s32 $0x1  }
0xcd: {  	_ =	sfence.sel $0xFFFF  }
0xce: {  	[dreg:$0x0] =	wrdreg $0xFFFFFFFF;
	(pc) =	sbr.abs _section_cstart, $3  }
0xcf: {  	[dreg:$0x1] =	wrdreg $0xFFFFFFFF  }
0xd0: {  	_ =	task.clear_ibuf [dreg:s22], $0x2FFFF;
	_ =	strace $0x9FFFFFFF  }
0xd1: {  	(tm) =	ssettm $0x7FFFFFFF  }
tec
execute0_lowered:
.L_overlay_start_1:
0x0: {  	(tag) =	ssettag $0x1  }
0x1: {  	s0 =	stileid.u32  }
0x2: {  	s5 =	rddreg [dreg:$0x0];
	s4 =	smul.u32 $0x4E200, s0  }
0x3: {  	s2 =	rddreg [dreg:$0x1];
	s6 =	smul.u32 $0xFA0, s0  }
0x4: {  	s3 =	simm.s32 $0x0;
	s7 =	srdreg.scid;
	s31 =	smul.u32 $0x50000, s0  }
0x5: {  	s28 =	simm.s32 $0x0;
	s18 =	sand.u32 $0x1, s7;
	s9 =	smul.u32 $0x14000, s0  }
0x6: {  	[smem:$0x7FF] =	sst s3;
	s15 =	sadd.s32 $0x70E00, s5;
	s13 =	smul.u32 $0x140000, s18  }
0x7: {  	_ =	strace $0x8000004A;
	s30 =	ssub.s32 $0x2, s18;
	s29 =	smul.u32 $0x7D0, s18  }
0x8: {  	s22 =	sadd.s32 s4, s5;
	s23 =	sadd.s32 s6, s5;
	s4 =	sadd.s32 $0x70800, s5  }
0x9: {  	s8 =	sshrl.u32 s30, $0x1;
	s0 =	sshrl.u32 s31, $0x2;
	s1 =	sor.u32 $0x2800, s9  }
0xa: {  	s10 =	sadd.s32 $0x5000, s9;
	s16 =	sadd.s32 $0x7800, s9;
	s17 =	sadd.s32 $0xA000, s9  }
0xb: {  	s19 =	sadd.s32 $0xC800, s9;
	s20 =	sadd.s32 $0xF000, s9;
	s24 =	sadd.s32 $0x11800, s9  }
0xc: {  	s21 =	ssub.s32 s30, s8;
	s5 =	sadd.s32 s0, s2;
	s6 =	sadd.s32 s1, s2  }
0xd: {  	s7 =	sadd.s32 s10, s2;
	s11 =	sadd.s32 s9, s13;
	s8 =	sadd.s32 s13, s1  }
0xe: {  	s10 =	sadd.s32 s13, s10;
	s14 =	sadd.s32 s13, s16;
	s25 =	sadd.s32 s13, s20  }
0xf: {  	s26 =	sadd.s32 s13, s24;
	s16 =	sadd.s32 s16, s2;
	s30 =	smul.u32 $0x27100, s18  }
0x10: {  	s18 =	sadd.s32 s19, s2;
	s23 =	sadd.s32 s29, s23;
	s11 =	sshrl.u32 s11, $0x3  }
0x11: {  	s12 =	sshrl.u32 s8, $0x3;
	s10 =	sshrl.u32 s10, $0x3;
	s25 =	sshrl.u32 s25, $0x3  }
0x12: {  	s26 =	sshrl.u32 s26, $0x3;
	s21 =	smax.u32 s21, $0x1;
	s8 =	sadd.s32 s15, s11  }
0x13: {  	s9 =	sadd.s32 s15, s12;
	s12 =	sadd.s32 s13, s17;
	s10 =	sadd.s32 s15, s10  }
0x14: {  	s11 =	sshrl.u32 s14, $0x3;
	s14 =	sadd.s32 s13, s19;
	s17 =	sadd.s32 s17, s2  }
0x15: {  	s19 =	sadd.s32 s20, s2;
	s20 =	sadd.s32 s24, s2;
	s31 =	sadd.s32 s30, s22  }
0x16: {  	s22 =	sadd.s32 $0xE00, s23;
	s24 =	simm.s32 $0x80;
	s12 =	sshrl.u32 s12, $0x3  }
0x17: {  	s11 =	sadd.s32 s15, s11;
	s14 =	sshrl.u32 s14, $0x3;
	s23 =	sadd.s32 $0x552800, s31  }
0x18: {  	s12 =	sadd.s32 s15, s12;
	s13 =	sadd.s32 s15, s14;
	s14 =	sadd.s32 s15, s25  }
0x19: {  	s15 =	sadd.s32 s15, s26;
	s25 =	simm.s32 $0x1;
	s26 =	simm.s32 $0x50  }
.LBB2_1:
0x1a: {  	[tilespmem:s24], [sflag:$0x1] =	stream.linear.gather [hbm4b:s4+s3], $0x2800, $0x38;
	[tilespmem:$0xF080] =	vst v63  }
0x1b: {  	_ =	swait.ge [sflag:s25], $0x2800  }
0x1c: {  	[sflag:s25] =	ssyncset.done $0x0  }
0x1d: {  	[sflag:s25] =	ssyncadd.s32 $0xFFFFD800  }
0x1e: {  	[spmem:s5] =	stream.linear.scatter [tilespmem:s24], [sflag:$0x1], $0x2800, $0x38;
	[tilespmem:$0xF080] =	vst v63  }
0x1f: {  	_ =	swait.ge [sflag:s25], $0x2800  }
0x20: {  	[sflag:s25] =	ssyncset.done $0x0  }
0x21: {  	[sflag:s25] =	ssyncadd.s32 $0xFFFFD800  }
0x22: {  	[spmem:s6] =	stream.linear.scatter [tilespmem:s24], [sflag:$0x1], $0x2800, $0x38;
	[tilespmem:$0xF080] =	vst v63  }
0x23: {  	_ =	swait.ge [sflag:s25], $0x2800  }
0x24: {  	[sflag:s25] =	ssyncset.done $0x0  }
0x25: {  	[sflag:s25] =	ssyncadd.s32 $0xFFFFD800  }
0x26: {  	[spmem:s7] =	stream.linear.scatter [tilespmem:s24], [sflag:$0x1], $0x2800, $0x38;
	[tilespmem:$0xF080] =	vst v63  }
0x27: {  	_ =	swait.ge [sflag:s25], $0x2800  }
0x28: {  	[sflag:s25] =	ssyncset.done $0x0  }
0x29: {  	[sflag:s25] =	ssyncadd.s32 $0xFFFFD800  }
0x2a: {  	[spmem:s16] =	stream.linear.scatter [tilespmem:s24], [sflag:$0x1], $0x2800, $0x38;
	[tilespmem:$0xF080] =	vst v63  }
0x2b: {  	_ =	swait.ge [sflag:s25], $0x2800  }
0x2c: {  	[sflag:s25] =	ssyncset.done $0x0  }
0x2d: {  	[sflag:s25] =	ssyncadd.s32 $0xFFFFD800  }
0x2e: {  	[spmem:s17] =	stream.linear.scatter [tilespmem:s24], [sflag:$0x1], $0x2800, $0x38;
	[tilespmem:$0xF080] =	vst v63  }
0x2f: {  	_ =	swait.ge [sflag:s25], $0x2800  }
0x30: {  	[sflag:s25] =	ssyncset.done $0x0  }
0x31: {  	[sflag:s25] =	ssyncadd.s32 $0xFFFFD800  }
0x32: {  	[spmem:s18] =	stream.linear.scatter [tilespmem:s24], [sflag:$0x1], $0x2800, $0x38;
	[tilespmem:$0xF080] =	vst v63  }
0x33: {  	_ =	swait.ge [sflag:s25], $0x2800  }
0x34: {  	[sflag:s25] =	ssyncset.done $0x0  }
0x35: {  	[sflag:s25] =	ssyncadd.s32 $0xFFFFD800  }
0x36: {  	[spmem:s19] =	stream.linear.scatter [tilespmem:s24], [sflag:$0x1], $0x2800, $0x38;
	[tilespmem:$0xF080] =	vst v63  }
0x37: {  	_ =	swait.ge [sflag:s25], $0x2800  }
0x38: {  	[sflag:s25] =	ssyncset.done $0x0  }
0x39: {  	[sflag:s25] =	ssyncadd.s32 $0xFFFFD800  }
0x3a: {  	[spmem:s20] =	stream.linear.scatter [tilespmem:s24], [sflag:$0x1], $0x2800, $0x38;
	[tilespmem:$0xF080] =	vst v63  }
0x3b: {  	_ =	swait.ge [sflag:s25], $0x2800  }
0x3c: {  	[sflag:s25] =	ssyncset.done $0x0  }
0x3d: {  	[sflag:s25] =	ssyncadd.s32 $0xFFFFD800  }
0x3e: {  	s29 =	sadd.s32 $0x0, s22;
	[bflag:$0x0] =	sbarrier.arrive $0xFFFF  }
0x3f: {  	[tilespmem:s3], [sflag:$0x1] =	stream.linear.gather [hbm4b:s29+s3], $0x80, $0x38;
	[tilespmem:$0xF080] =	vst v63  }
0x40: {  	_ =	swait.ge [sflag:s25], $0x80  }
0x41: {  	[sflag:s25] =	ssyncset.done $0x0  }
0x42: {  	[sflag:s25] =	ssyncadd.s32 $0xFFFFFF80  }
0x43: {  	[tilespmem:s24], [sflag:$0x1] =	stream.linear.gather [hbm4b:s23+s3], $0x2800, $0x38;
	[tilespmem:$0xF080] =	vst v63  }
0x44: {  	_ =	swait.ge [sflag:s25], $0x2800  }
0x45: {  	[sflag:s25] =	ssyncset.done $0x0  }
0x46: {  	[sflag:s25] =	ssyncadd.s32 $0xFFFFD800  }
0x47: {  	[spmem:s2] =	stream.indirect.scatter.add.f32 [tilespmem:s24], [sflag:$0x1], $0x50, s3, s26, $0xb8;
	[tilespmem:$0xF080] =	vst v63  }
0x48: {  	s30 =	simm.s32 $0x10;
	_ =	swait.ge [sflag:s25], $0x1900  }
0x49: {  	s31 =	simm.s32 $0x20;
	s29 =	sadd.s32 $0x500, s23;
	[sflag:s25] =	ssyncset.done $0x0  }
.LBB2_2:
0x4a: {  	s0 =	sadd.s32 s30, s22  }
0x4b: {  	[sflag:s25] =	ssyncadd.s32 $0xFFFFE700;
	s30 =	smov.u32 s31;
	s1 =	sadd.s32 $0x10, s31  }
0x4c: {  	[tilespmem:s3], [sflag:$0x1] =	stream.linear.gather [hbm4b:s0+s3], $0x80, $0x38;
	[tilespmem:$0xF080] =	vst v63  }
0x4d: {  	p0 =	sne.s32 s31, $0x7C0;
	_ =	swait.ge [sflag:s25], $0x80  }
0x4e: {  	[sflag:s25] =	ssyncset.done $0x0  }
0x4f: {  	[sflag:s25] =	ssyncadd.s32 $0xFFFFFF80  }
0x50: {  	[tilespmem:s24], [sflag:$0x1] =	stream.linear.gather [hbm4b:s29+s3], $0x2800, $0x38;
	[tilespmem:$0xF080] =	vst v63  }
0x51: {  	_ =	swait.ge [sflag:s25], $0x2800  }
.Ltmp0:
0x52: {  	[sflag:s25] =	ssyncset.done $0x0;
	(pc) =	sbr.rel @p0 .LBB2_2-.Ltmp0, $4  }
0x53: {  	[sflag:s25] =	ssyncadd.s32 $0xFFFFD800  }
0x54: {  	[spmem:s2] =	stream.indirect.scatter.add.f32 [tilespmem:s24], [sflag:$0x1], $0x50, s3, s26, $0xb8;
	[tilespmem:$0xF080] =	vst v63  }
0x55: {  	_ =	swait.ge [sflag:s25], $0x1900  }
0x56: {  	s31 =	smov.u32 s1;
	s29 =	sadd.s32 $0x500, s29;
	[sflag:s25] =	ssyncset.done $0x0  }
0x57: {  	s0 =	sadd.s32 s30, s22;
	[sflag:s25] =	ssyncadd.s32 $0xFFFFE700  }
0x58: {  	[tilespmem:s3], [sflag:$0x1] =	stream.linear.gather [hbm4b:s0+s3], $0x80, $0x38;
	[tilespmem:$0xF080] =	vst v63  }
0x59: {  	_ =	swait.ge [sflag:s25], $0x80  }
0x5a: {  	[sflag:s25] =	ssyncset.done $0x0  }
0x5b: {  	[sflag:s25] =	ssyncadd.s32 $0xFFFFFF80  }
0x5c: {  	[tilespmem:s24], [sflag:$0x1] =	stream.linear.gather [hbm4b:s29+s3], $0x2800, $0x38;
	[tilespmem:$0xF080] =	vst v63  }
0x5d: {  	_ =	swait.ge [sflag:s25], $0x2800  }
0x5e: {  	[sflag:s25] =	ssyncset.done $0x0  }
0x5f: {  	[sflag:s25] =	ssyncadd.s32 $0xFFFFD800  }
0x60: {  	[spmem:s2] =	stream.indirect.scatter.add.f32 [tilespmem:s24], [sflag:$0x1], $0x50, s3, s26, $0xb8;
	[tilespmem:$0xF080] =	vst v63  }
0x61: {  	_ =	swait.ge [sflag:s25], $0x1900  }
0x62: {  	[sflag:s25] =	ssyncset.done $0x0  }
0x63: {  	[sflag:s25] =	ssyncadd.s32 $0xFFFFE700  }
0x64: {  	[bflag:$0x0] =	sbarrier.arrive $0xFFFF  }
0x65: {  	[tilespmem:s24], [sflag:$0x1] =	stream.linear.gather [spmem:s5], $0x2800, $0x38;
	[tilespmem:$0xF080] =	vst v63  }
0x66: {  	_ =	swait.ge [sflag:s25], $0x2800  }
0x67: {  	[sflag:s25] =	ssyncset.done $0x0  }
0x68: {  	[sflag:s25] =	ssyncadd.s32 $0xFFFFD800  }
0x69: {  	[hbm4b:s8+s3] =	stream.linear.scatter [tilespmem:s24], [sflag:$0x1], $0x2800, $0x38;
	[tilespmem:$0xF080] =	vst v63  }
0x6a: {  	_ =	swait.ge [sflag:s25], $0x2800  }
0x6b: {  	[sflag:s25] =	ssyncset.done $0x0  }
0x6c: {  	[sflag:s25] =	ssyncadd.s32 $0xFFFFD800  }
0x6d: {  	[tilespmem:s24], [sflag:$0x1] =	stream.linear.gather [spmem:s6], $0x2800, $0x38;
	[tilespmem:$0xF080] =	vst v63  }
0x6e: {  	_ =	swait.ge [sflag:s25], $0x2800  }
0x6f: {  	[sflag:s25] =	ssyncset.done $0x0  }
0x70: {  	[sflag:s25] =	ssyncadd.s32 $0xFFFFD800  }
0x71: {  	[hbm4b:s9+s3] =	stream.linear.scatter [tilespmem:s24], [sflag:$0x1], $0x2800, $0x38;
	[tilespmem:$0xF080] =	vst v63  }
0x72: {  	_ =	swait.ge [sflag:s25], $0x2800  }
0x73: {  	[sflag:s25] =	ssyncset.done $0x0  }
0x74: {  	[sflag:s25] =	ssyncadd.s32 $0xFFFFD800  }
0x75: {  	[tilespmem:s24], [sflag:$0x1] =	stream.linear.gather [spmem:s7], $0x2800, $0x38;
	[tilespmem:$0xF080] =	vst v63  }
0x76: {  	_ =	swait.ge [sflag:s25], $0x2800  }
0x77: {  	[sflag:s25] =	ssyncset.done $0x0  }
0x78: {  	[sflag:s25] =	ssyncadd.s32 $0xFFFFD800  }
0x79: {  	[hbm4b:s10+s3] =	stream.linear.scatter [tilespmem:s24], [sflag:$0x1], $0x2800, $0x38;
	[tilespmem:$0xF080] =	vst v63  }
0x7a: {  	_ =	swait.ge [sflag:s25], $0x2800  }
0x7b: {  	[sflag:s25] =	ssyncset.done $0x0  }
0x7c: {  	[sflag:s25] =	ssyncadd.s32 $0xFFFFD800  }
0x7d: {  	[tilespmem:s24], [sflag:$0x1] =	stream.linear.gather [spmem:s16], $0x2800, $0x38;
	[tilespmem:$0xF080] =	vst v63  }
0x7e: {  	_ =	swait.ge [sflag:s25], $0x2800  }
0x7f: {  	[sflag:s25] =	ssyncset.done $0x0  }
0x80: {  	[sflag:s25] =	ssyncadd.s32 $0xFFFFD800  }
0x81: {  	[hbm4b:s11+s3] =	stream.linear.scatter [tilespmem:s24], [sflag:$0x1], $0x2800, $0x38;
	[tilespmem:$0xF080] =	vst v63  }
0x82: {  	_ =	swait.ge [sflag:s25], $0x2800  }
0x83: {  	[sflag:s25] =	ssyncset.done $0x0  }
0x84: {  	[sflag:s25] =	ssyncadd.s32 $0xFFFFD800  }
0x85: {  	[tilespmem:s24], [sflag:$0x1] =	stream.linear.gather [spmem:s17], $0x2800, $0x38;
	[tilespmem:$0xF080] =	vst v63  }
0x86: {  	_ =	swait.ge [sflag:s25], $0x2800  }
0x87: {  	[sflag:s25] =	ssyncset.done $0x0  }
0x88: {  	[sflag:s25] =	ssyncadd.s32 $0xFFFFD800  }
0x89: {  	[hbm4b:s12+s3] =	stream.linear.scatter [tilespmem:s24], [sflag:$0x1], $0x2800, $0x38;
	[tilespmem:$0xF080] =	vst v63  }
0x8a: {  	_ =	swait.ge [sflag:s25], $0x2800  }
0x8b: {  	[sflag:s25] =	ssyncset.done $0x0  }
0x8c: {  	[sflag:s25] =	ssyncadd.s32 $0xFFFFD800  }
0x8d: {  	[tilespmem:s24], [sflag:$0x1] =	stream.linear.gather [spmem:s18], $0x2800, $0x38;
	[tilespmem:$0xF080] =	vst v63  }
0x8e: {  	_ =	swait.ge [sflag:s25], $0x2800  }
0x8f: {  	[sflag:s25] =	ssyncset.done $0x0  }
0x90: {  	[sflag:s25] =	ssyncadd.s32 $0xFFFFD800  }
0x91: {  	[hbm4b:s13+s3] =	stream.linear.scatter [tilespmem:s24], [sflag:$0x1], $0x2800, $0x38;
	[tilespmem:$0xF080] =	vst v63  }
0x92: {  	_ =	swait.ge [sflag:s25], $0x2800  }
0x93: {  	[sflag:s25] =	ssyncset.done $0x0  }
0x94: {  	[sflag:s25] =	ssyncadd.s32 $0xFFFFD800  }
0x95: {  	[tilespmem:s24], [sflag:$0x1] =	stream.linear.gather [spmem:s19], $0x2800, $0x38;
	[tilespmem:$0xF080] =	vst v63  }
0x96: {  	_ =	swait.ge [sflag:s25], $0x2800  }
0x97: {  	[sflag:s25] =	ssyncset.done $0x0  }
0x98: {  	[sflag:s25] =	ssyncadd.s32 $0xFFFFD800  }
0x99: {  	[hbm4b:s14+s3] =	stream.linear.scatter [tilespmem:s24], [sflag:$0x1], $0x2800, $0x38;
	[tilespmem:$0xF080] =	vst v63  }
0x9a: {  	_ =	swait.ge [sflag:s25], $0x2800  }
0x9b: {  	[sflag:s25] =	ssyncset.done $0x0  }
0x9c: {  	[sflag:s25] =	ssyncadd.s32 $0xFFFFD800  }
0x9d: {  	[tilespmem:s24], [sflag:$0x1] =	stream.linear.gather [spmem:s20], $0x2800, $0x38;
	[tilespmem:$0xF080] =	vst v63  }
0x9e: {  	s28 =	sadd.s32 $0x1, s28;
	_ =	swait.ge [sflag:s25], $0x2800  }
0x9f: {  	p0 =	sne.s32 s28, s21;
	[sflag:s25] =	ssyncset.done $0x0  }
.Ltmp1:
0xa0: {  	[sflag:s25] =	ssyncadd.s32 $0xFFFFD800;
	(pc) =	sbr.rel @p0 .LBB2_1-.Ltmp1, $4  }
0xa1: {  	[hbm4b:s15+s3] =	stream.linear.scatter [tilespmem:s24], [sflag:$0x1], $0x2800, $0x38;
	[tilespmem:$0xF080] =	vst v63  }
0xa2: {  	_ =	swait.ge [sflag:s25], $0x2800  }
0xa3: {  	[sflag:s25] =	ssyncset.done $0x0  }
0xa4: {  	[sflag:s25] =	ssyncadd.s32 $0xFFFFD800  }
0xa5: {  	_ =	sfence.sel $0x180000  }
0xa6: {  	[bflag:$0x0] =	sbarrier.arrive $0xFFFF  }
0xa7: {  	_ =	strace $0x9000004A  }
0xa8: {  	s0 =	stileid.u32;
	[bflag:$0x2] =	sbarrier.arrive $0xFFFF  }
0xa9: {  	p0 =	sne.s32 s0, $0x0;
	s0 =	rddreg [dreg:$0x2]  }
0xaa: {  	s0 =	sadd.s32 @!p0 $0x100000, s0  }
0xab: {  	[sflag:s0] =	ssyncadd.tile.s32 @!p0 $0x1;
	_ =	shalt  }
.Lfunc_end2:
_tile_overlayer_lowered:
.L_overlay_start_2:
0xac: {  	(tag) =	ssettag $0x2  }
0xad: {  	s0 =	rddreg [dreg:$0x0];
	s2 =	stileid.u32  }
0xae: {  	s1 =	rddreg [dreg:$0x1];
	p0 =	sne.s32 s2, $0x0  }
0xaf: {  	s3 =	rddreg [dreg:$0x2];
	[bflag:$0x3] =	sbarrier.arrive $0xFFFF;
	s2 =	simm.s32 @!p0 $0x1C01  }
0xb0: {  	[timem:s3], [sflag:s2] =	dma.local @!p0 [hbm:s0], s1  }
0xb1: {  	s0 =	simm.s32 @!p0 $0x1  }
0xb2: {  	_ =	swait.ge @!p0 [sflag:s0], s1  }
0xb3: {  	s1 =	ssub.s32 @!p0 $0x0, s1;
	[sflag:s0] =	ssyncset.done @!p0 $0x0  }
0xb4: {  	[sflag:s0] =	ssyncadd.s32 @!p0 s1  }
0xb5: {  	[bflag:$0x3] =	sbarrier.arrive $0xFFFF  }
0xb6: {  	_ =	shalt  }

</sc_bundles>
